<compile_context>
chip_gen: v7x
topology: tpu7x:2x2x1
jax: 0.10.2.dev20260603
libtpu: 0.0.44.dev20260713+nightly
codegen_flags: <defaults>
</compile_context>

<pallas_src>
import functools

import jax
import jax.numpy as jnp
from jax import lax
from jax.experimental import pallas as pl
from jax.experimental.pallas import tpu as pltpu
from jax.experimental.pallas import tpu_sc as plsc

D = 1024
E = 8
K = 2
CD = 16
MKD = 32
M = 512
N_TOK = 2048

TBLK = 1024
EBLK = 512
R_PAD = N_TOK * K + E * EBLK
NB = R_PAD // EBLK
NW = 32
CHUNK = 64


def _gelu(x):
    return jax.nn.gelu(x)


def _router_body(x_ref, rotor_ref, W_enc_ref, b_enc_ref, W_router_ref,
                 b_router_ref, h_ref, rw_ref, i1_ref, i2_ref, g1_ref, g2_ref):
    x = x_ref[...]
    h = _gelu(jnp.dot(x, W_enc_ref[...], preferred_element_type=jnp.float32)
              + b_enc_ref[...][None, :])
    h = h * rotor_ref[...][None, :]
    h_ref[...] = h

    logits = (jnp.dot(h, W_router_ref[...], preferred_element_type=jnp.float32)
              + b_router_ref[...][None, :])
    z = logits - jnp.max(logits, axis=1, keepdims=True)
    ez = jnp.exp(z)
    probs = ez / jnp.sum(ez, axis=1, keepdims=True)

    iota8 = lax.broadcasted_iota(jnp.int32, (TBLK, E), 1)
    m1 = jnp.max(probs, axis=1, keepdims=True)
    i1 = jnp.min(jnp.where(probs == m1, iota8, E), axis=1, keepdims=True)
    masked = jnp.where(iota8 == i1, -1.0, probs)
    m2 = jnp.max(masked, axis=1, keepdims=True)
    i2 = jnp.min(jnp.where(masked == m2, iota8, E), axis=1, keepdims=True)
    denom = m1 + m2
    g1 = m1 / denom
    g2 = m2 / denom
    rw_ref[...] = (jnp.where(iota8 == i1, g1, 0.0)
                   + jnp.where(iota8 == i2, g2, 0.0))
    i1_ref[...] = i1
    i2_ref[...] = i2
    g1_ref[...] = g1
    g2_ref[...] = g2


def _run_router(x, rotor, W_enc, b_enc, W_router, b_router):
    n_blocks = N_TOK // TBLK
    rep = lambda *shape: pl.BlockSpec(shape, lambda i: (0,) * len(shape))
    return pl.pallas_call(
        _router_body,
        grid=(n_blocks,),
        in_specs=[
            pl.BlockSpec((TBLK, D), lambda i: (i, 0)),
            rep(D), rep(D, D), rep(D), rep(D, E), rep(E),
        ],
        out_specs=[
            pl.BlockSpec((TBLK, D), lambda i: (i, 0)),
            pl.BlockSpec((TBLK, E), lambda i: (i, 0)),
            pl.BlockSpec((TBLK, 1), lambda i: (i, 0)),
            pl.BlockSpec((TBLK, 1), lambda i: (i, 0)),
            pl.BlockSpec((TBLK, 1), lambda i: (i, 0)),
            pl.BlockSpec((TBLK, 1), lambda i: (i, 0)),
        ],
        out_shape=[
            jax.ShapeDtypeStruct((N_TOK, D), jnp.float32),
            jax.ShapeDtypeStruct((N_TOK, E), jnp.float32),
            jax.ShapeDtypeStruct((N_TOK, 1), jnp.int32),
            jax.ShapeDtypeStruct((N_TOK, 1), jnp.int32),
            jax.ShapeDtypeStruct((N_TOK, 1), jnp.float32),
            jax.ShapeDtypeStruct((N_TOK, 1), jnp.float32),
        ],
        compiler_params=pltpu.CompilerParams(
            dimension_semantics=("arbitrary",),
            vmem_limit_bytes=100 * 1024 * 1024,
        ),
    )(x, rotor, W_enc, b_enc, W_router, b_router)


_RCHUNK = 512


def _positions_body(i1_ref, i2_ref, pos1_ref, pos2_ref, be_ref):
    iota_e1 = lax.broadcasted_iota(jnp.int32, (N_TOK, E), 1)
    oh1 = (iota_e1 == i1_ref[...]).astype(jnp.float32)
    oh2 = (iota_e1 == i2_ref[...]).astype(jnp.float32)
    cnt1 = jnp.sum(oh1, axis=0, keepdims=True)
    cnt = cnt1 + jnp.sum(oh2, axis=0, keepdims=True)
    cnt_i = cnt.astype(jnp.int32)
    pc = ((cnt_i + (EBLK - 1)) // EBLK) * EBLK
    pc_f = pc.astype(jnp.float32)
    er = lax.broadcasted_iota(jnp.int32, (E, E), 0)
    ec = lax.broadcasted_iota(jnp.int32, (E, E), 1)
    upper = (er < ec).astype(jnp.float32)
    off = jnp.dot(pc_f, upper, preferred_element_type=jnp.float32)

    carry1 = jnp.zeros((1, E), jnp.float32)
    carry2 = cnt1
    rbase = lax.broadcasted_iota(jnp.int32, (_RCHUNK, N_TOK), 0)
    cidx = lax.broadcasted_iota(jnp.int32, (_RCHUNK, N_TOK), 1)
    for c in range(N_TOK // _RCHUNK):
        tril = ((rbase + c * _RCHUNK) > cidx).astype(jnp.float32)
        lo, hi = c * _RCHUNK, (c + 1) * _RCHUNK
        oh1c = oh1[lo:hi, :]
        oh2c = oh2[lo:hi, :]
        rank1 = (jnp.dot(tril, oh1, preferred_element_type=jnp.float32)
                 + carry1)
        rank2 = (jnp.dot(tril, oh2, preferred_element_type=jnp.float32)
                 + carry2)
        pos1_ref[lo:hi, :] = jnp.sum(
            oh1c * (rank1 + off), axis=1, keepdims=True).astype(jnp.int32)
        pos2_ref[lo:hi, :] = jnp.sum(
            oh2c * (rank2 + off), axis=1, keepdims=True).astype(jnp.int32)

    cum_end = off + pc_f
    bstart = (lax.broadcasted_iota(jnp.int32, (NB, E), 0) * EBLK)
    be = jnp.sum((bstart.astype(jnp.float32) >= cum_end), axis=1,
                 keepdims=True).astype(jnp.int32)
    be_ref[...] = jnp.minimum(be, E - 1)


def _run_positions(i1, i2):
    full = lambda *shape: pl.BlockSpec(shape, lambda: (0,) * len(shape))
    return pl.pallas_call(
        _positions_body,
        grid=(),
        in_specs=[full(N_TOK, 1), full(N_TOK, 1)],
        out_specs=[full(N_TOK, 1), full(N_TOK, 1), full(NB, 1)],
        out_shape=[
            jax.ShapeDtypeStruct((N_TOK, 1), jnp.int32),
            jax.ShapeDtypeStruct((N_TOK, 1), jnp.int32),
            jax.ShapeDtypeStruct((NB, 1), jnp.int32),
        ],
        compiler_params=pltpu.CompilerParams(
            vmem_limit_bytes=100 * 1024 * 1024,
        ),
    )(i1, i2)


def _wid():
    return lax.axis_index("s") * 2 + lax.axis_index("c")


def _sc_dispatch(h, pos_sc):
    mesh = plsc.VectorSubcoreMesh(core_axis_name="c", subcore_axis_name="s")

    @functools.partial(
        pl.kernel,
        out_type=jax.ShapeDtypeStruct((R_PAD, D), jnp.float32),
        scratch_types=[
            pltpu.VMEM((CHUNK,), jnp.int32),
            pltpu.VMEM((CHUNK, D), jnp.float32),
            pltpu.SemaphoreType.DMA,
        ],
        mesh=mesh,
    )
    def run(h_hbm, pos_hbm, out_hbm, idx_v, rows_v, sem):
        w = _wid()
        tb = lax.rem(w, 16) * 128
        for ch in range(2):
            pltpu.sync_copy(pos_hbm.at[w, ch], idx_v)
            pltpu.sync_copy(h_hbm.at[pl.ds(tb + ch * CHUNK, CHUNK)], rows_v)
            pltpu.async_copy(rows_v, out_hbm.at[idx_v], sem).wait()

    return run(h, pos_sc)


def _sc_combine(y, pos_sc):
    mesh = plsc.VectorSubcoreMesh(core_axis_name="c", subcore_axis_name="s")

    @functools.partial(
        pl.kernel,
        out_type=jax.ShapeDtypeStruct((N_TOK * K, D), jnp.float32),
        scratch_types=[
            pltpu.VMEM((CHUNK,), jnp.int32),
            pltpu.VMEM((CHUNK, D), jnp.float32),
            pltpu.SemaphoreType.DMA,
        ],
        mesh=mesh,
    )
    def run(y_hbm, pos_hbm, out_hbm, idx_v, rows_v, sem):
        w = _wid()
        base = w * 128
        for ch in range(2):
            pltpu.sync_copy(pos_hbm.at[w, ch], idx_v)
            pltpu.async_copy(y_hbm.at[idx_v], rows_v, sem).wait()
            pltpu.sync_copy(rows_v, out_hbm.at[pl.ds(base + ch * CHUNK, CHUNK)])

    return run(y, pos_sc)


def _expert_body(be_ref, hs_ref, wexp_ref, bexp_ref, y_ref):
    y_ref[...] = _gelu(
        jnp.dot(hs_ref[...], wexp_ref[0], preferred_element_type=jnp.float32)
        + bexp_ref[0, 0][None, :])


def _run_experts(h_sorted, be, W_exp, b_exp):
    grid_spec = pltpu.PrefetchScalarGridSpec(
        num_scalar_prefetch=1,
        grid=(NB,),
        in_specs=[
            pl.BlockSpec((EBLK, D), lambda i, be: (i, 0)),
            pl.BlockSpec((1, D, D), lambda i, be: (be[i], 0, 0)),
            pl.BlockSpec((1, 1, D), lambda i, be: (be[i], 0, 0)),
        ],
        out_specs=pl.BlockSpec((EBLK, D), lambda i, be: (i, 0)),
    )
    return pl.pallas_call(
        _expert_body,
        grid_spec=grid_spec,
        out_shape=jax.ShapeDtypeStruct((R_PAD, D), jnp.float32),
        compiler_params=pltpu.CompilerParams(
            dimension_semantics=("arbitrary",),
            vmem_limit_bytes=100 * 1024 * 1024,
        ),
    )(be, h_sorted, W_exp, b_exp.reshape(E, 1, D))


def _tail_body(y1_ref, y2_ref, g1_ref, g2_ref, W_inv_ref, b_inv_ref, Wq_ref,
               mem_keys_ref, mem_vals_ref, W_head_ref, b_head_ref,
               W_out_ref, b_out_ref, out_ref, tinv_ref):
    combined = g1_ref[...] * y1_ref[...] + g2_ref[...] * y2_ref[...]
    raw_inv = (jnp.dot(combined, W_inv_ref[...],
                       preferred_element_type=jnp.float32)
               + b_inv_ref[...][None, :])
    q = jnp.dot(raw_inv, Wq_ref[...], preferred_element_type=jnp.float32)
    scores = lax.dot_general(q, mem_keys_ref[...], (((1,), (1,)), ((), ())),
                             preferred_element_type=jnp.float32)
    scores = scores * (1.0 / jnp.sqrt(jnp.float32(MKD)))
    smax = jnp.max(scores, axis=1, keepdims=True)
    es = jnp.exp(scores - smax)
    attn = es / jnp.sum(es, axis=1, keepdims=True)
    mem_read = jnp.dot(attn, mem_vals_ref[...],
                       preferred_element_type=jnp.float32)
    mem_inv = raw_inv + mem_read
    tinv_ref[...] = (jnp.dot(mem_inv, W_head_ref[...],
                             preferred_element_type=jnp.float32)
                     + b_head_ref[...][None, :])
    out_ref[...] = (jnp.dot(combined, W_out_ref[...],
                            preferred_element_type=jnp.float32)
                    + b_out_ref[...][None, :])


def _run_tail(yc, g1, g2, W_inv, b_inv, Wq, mem_keys, mem_vals,
              W_head, b_head, W_out, b_out):
    n_blocks = N_TOK // TBLK
    rep = lambda *shape: pl.BlockSpec(shape, lambda i: (0,) * len(shape))
    return pl.pallas_call(
        _tail_body,
        grid=(n_blocks,),
        in_specs=[
            pl.BlockSpec((TBLK, D), lambda i: (i, 0)),
            pl.BlockSpec((TBLK, D), lambda i: (i + n_blocks, 0)),
            pl.BlockSpec((TBLK, 1), lambda i: (i, 0)),
            pl.BlockSpec((TBLK, 1), lambda i: (i, 0)),
            rep(D, CD), rep(CD), rep(CD, MKD), rep(M, MKD), rep(M, CD),
            rep(CD, D), rep(D), rep(D, D), rep(D),
        ],
        out_specs=[
            pl.BlockSpec((TBLK, D), lambda i: (i, 0)),
            pl.BlockSpec((TBLK, D), lambda i: (i, 0)),
        ],
        out_shape=[
            jax.ShapeDtypeStruct((N_TOK, D), jnp.float32),
            jax.ShapeDtypeStruct((N_TOK, D), jnp.float32),
        ],
        compiler_params=pltpu.CompilerParams(
            dimension_semantics=("arbitrary",),
            vmem_limit_bytes=100 * 1024 * 1024,
        ),
    )(yc, yc, g1, g2, W_inv, b_inv, Wq, mem_keys, mem_vals,
      W_head, b_head, W_out, b_out)


def kernel(x, domain_idx, W_enc, b_enc, rotors, W_router, b_router, W_exp,
           b_exp, W_inv, b_inv, Wq, mem_keys, mem_vals, W_head, b_head,
           W_out, b_out):
    rotor = jnp.take(rotors, domain_idx, axis=0)

    h, rw, i1, i2, g1, g2 = _run_router(x, rotor, W_enc, b_enc,
                                        W_router, b_router)
    pos1, pos2, be = _run_positions(i1, i2)
    pos_sc = jnp.concatenate([pos1[:, 0], pos2[:, 0]]).reshape(NW, 2, CHUNK)
    h_sorted = _sc_dispatch(h, pos_sc)
    y = _run_experts(h_sorted, be.reshape(NB), W_exp, b_exp)
    yc = _sc_combine(y, pos_sc)
    out, tinv = _run_tail(yc, g1, g2, W_inv, b_inv, Wq, mem_keys, mem_vals,
                          W_head, b_head, W_out, b_out)
    return out, rw, tinv

# --- scband reference (transcript-rebuilt; emitter-appended) ---
"""Pipeline reference for scband-hdimmodel-14173392077077 (READ-ONLY COPY).

The authoritative reference and input builder live on the scoring server;
editing this copy changes nothing except your own understanding.
"""

import jax, jax.numpy as jnp
import numpy as np

D = 1024      # hidden_dim
E = 8         # num_experts
K = 2         # top_k
CD = 16       # clifford_dim = 2**(p+q+r) = 2**4
MKD = 32      # memory_key_dim
M = 512       # memory slots
ND = 4        # num_domains
N_TOK = 2048  # batch*seq tokens


def setup_inputs(seed: int = 0) -> dict:
    key = jax.random.key(seed)
    ks = jax.random.split(key, 12)
    s = 0.02
    return {
        "x": jax.random.normal(ks[0], (N_TOK, D), jnp.float32),
        "domain_idx": 1,
        "W_enc": jax.random.normal(ks[1], (D, D), jnp.float32) * (1.0 / np.sqrt(D)),
        "b_enc": jnp.zeros((D,), jnp.float32),
        "rotors": 1.0 + s * jax.random.normal(ks[2], (ND, D), jnp.float32),
        "W_router": jax.random.normal(ks[3], (D, E), jnp.float32) * s,
        "b_router": jnp.zeros((E,), jnp.float32),
        "W_exp": jax.random.normal(ks[4], (E, D, D), jnp.float32) * (1.0 / np.sqrt(D)),
        "b_exp": jnp.zeros((E, D), jnp.float32),
        "W_inv": jax.random.normal(ks[5], (D, CD), jnp.float32) * (1.0 / np.sqrt(D)),
        "b_inv": jnp.zeros((CD,), jnp.float32),
        "Wq": jax.random.normal(ks[6], (CD, MKD), jnp.float32) * (1.0 / np.sqrt(CD)),
        "mem_keys": jax.random.normal(ks[7], (M, MKD), jnp.float32),
        "mem_vals": jax.random.normal(ks[8], (M, CD), jnp.float32) * s,
        "W_head": jax.random.normal(ks[9], (CD, D), jnp.float32) * (1.0 / np.sqrt(CD)),
        "b_head": jnp.zeros((D,), jnp.float32),
        "W_out": jax.random.normal(ks[10], (D, D), jnp.float32) * (1.0 / np.sqrt(D)),
        "b_out": jnp.zeros((D,), jnp.float32),
    }


def _forward(x, W_enc, b_enc, rotors, W_router, b_router, W_exp, b_exp,
             W_inv, b_inv, Wq, mem_keys, mem_vals, W_head, b_head,
             W_out, b_out, domain_idx):
    # encoder + dropout (eval mode -> identity)
    h = jax.nn.gelu(x @ W_enc + b_enc)
    # domain rotor for the selected domain (integer-indexed domain interface)
    h = h * rotors[domain_idx]
    # R3MoE router: softmax scores -> top-k gating (renormalized)
    logits = h @ W_router + b_router
    probs = jax.nn.softmax(logits, axis=-1)
    topk_vals, topk_idx = jax.lax.top_k(probs, K)
    gates = topk_vals / jnp.sum(topk_vals, axis=-1, keepdims=True)
    n = h.shape[0]
    routing_weights = jnp.zeros((n, E), h.dtype).at[jnp.arange(n)[:, None], topk_idx].set(gates)
    # expert computation; zero gates nullify non-selected experts (math-equivalent to sparse dispatch)
    expert_h = jax.nn.gelu(jnp.einsum('nd,edh->neh', h, W_exp) + b_exp[None, :, :])
    combined = jnp.einsum('neh,ne->nh', expert_h, routing_weights)
    # canonical (clifford-dim) invariant
    raw_inv = combined @ W_inv + b_inv
    # Titans-style memory retrieval augmenting the invariant
    q = raw_inv @ Wq
    attn = jax.nn.softmax(q @ mem_keys.T / jnp.sqrt(jnp.float32(MKD)), axis=-1)
    mem_read = attn @ mem_vals
    mem_inv = raw_inv + mem_read
    # training_inv_head: clifford_dim -> hidden_dim projection of the exported invariant
    training_inv = mem_inv @ W_head + b_head
    # output head
    out = combined @ W_out + b_out
    return out, routing_weights, training_inv


def reference(x, domain_idx, W_enc, b_enc, rotors, W_router, b_router,
              W_exp, b_exp, W_inv, b_inv, Wq, mem_keys, mem_vals,
              W_head, b_head, W_out, b_out):
    return _forward(x, W_enc, b_enc, rotors,
                    W_router, b_router, W_exp, b_exp,
                    W_inv, b_inv, Wq, mem_keys,
                    mem_vals, W_head, b_head,
                    W_out, b_out, domain_idx)

if __name__ == "__main__":
    import jax
    _d = setup_inputs()
    print(jax.jit(kernel)(*tuple(_d.values())))

</pallas_src>

<mosaic_0001>
#map = affine_map<(d0, d1) -> (0, 0)>
#map1 = affine_map<(d0, d1) -> (0, 0, 0)>
module attributes {stable_mosaic.version = 14 : i64} {
  func.func @run(%arg0: i32, %arg1: i32, %arg2: memref<2048x1024xf32, #tpu.memory_space<hbm>>, %arg3: memref<32x2x64xi32, #tpu.memory_space<hbm>>, %arg4: memref<8192x1024xf32, #tpu.memory_space<hbm>>, %arg5: memref<64xi32, #tpu.memory_space<vmem>>, %arg6: memref<64x1024xf32, #tpu.memory_space<vmem>>, %arg7: memref<!tpu.dma_semaphore, #tpu.memory_space<semaphore_mem>>) attributes {dimension_semantics = [#tpu.dimension_semantics<core_parallel>, #tpu.dimension_semantics<subcore_parallel>], iteration_bounds = array<i64: 2, 16>, scalar_prefetch = 0 : i64, scratch_operands = 3 : i64, tpu.core_type = #tpu.core_type<sc_vector_subcore>, window_params = [{transform_indices = #map}, {transform_indices = #map1}, {transform_indices = #map}]} {
    %mul3A = arith.constant 2 : i32
    %mul3A_0 = arith.muli %arg1, %mul3A : i32
    %add3A = arith.addi %mul3A_0, %arg0 : i32
    %rem3A = arith.constant 16 : i32
    %rem3A_1 = arith.remsi %add3A, %rem3A : i32
    %mul3A_2 = arith.constant 128 : i32
    %mul3A_3 = arith.muli %rem3A_1, %mul3A_2 : i32
    %run_scoped3A = arith.constant 0 : i32
    "tpu.region"() ({
      %run_scoped3A_19 = tpu.sem_alloc : memref<!tpu.dma_semaphore, #tpu.memory_space<semaphore_mem>>
      %dma_start3A_20 = arith.constant 0 : i32
      %dma_start3A_21 = tpu.memref_slice %arg3[%add3A, %run_scoped3A, %dma_start3A_20] : memref<32x2x64xi32, #tpu.memory_space<hbm>> -> memref<1x1x64xi32, #tpu.memory_space<hbm>>
      %dma_start3A_22 = tpu.memref_squeeze %dma_start3A_21 : memref<1x1x64xi32, #tpu.memory_space<hbm>> -> memref<64xi32, #tpu.memory_space<hbm>>
      %dma_start3A_23 = arith.constant 0 : i32
      %dma_start3A_24 = tpu.memref_slice %arg3[%add3A, %run_scoped3A, %dma_start3A_23] : memref<32x2x64xi32, #tpu.memory_space<hbm>> -> memref<1x1x64xi32, #tpu.memory_space<hbm>>
      %dma_start3A_25 = tpu.memref_squeeze %dma_start3A_24 : memref<1x1x64xi32, #tpu.memory_space<hbm>> -> memref<64xi32, #tpu.memory_space<hbm>>
      tpu.enqueue_dma source(%dma_start3A_25 : memref<64xi32, #tpu.memory_space<hbm>>) target(%arg5 : memref<64xi32, #tpu.memory_space<vmem>>) target_semaphore(%run_scoped3A_19 : memref<!tpu.dma_semaphore, #tpu.memory_space<semaphore_mem>>)
      %dma_wait3A_26 = arith.constant 0 : i32
      %dma_wait3A_27 = tpu.memref_slice %arg3[%add3A, %run_scoped3A, %dma_wait3A_26] : memref<32x2x64xi32, #tpu.memory_space<hbm>> -> memref<1x1x64xi32, #tpu.memory_space<hbm>>
      %dma_wait3A_28 = tpu.memref_squeeze %dma_wait3A_27 : memref<1x1x64xi32, #tpu.memory_space<hbm>> -> memref<64xi32, #tpu.memory_space<hbm>>
      %dma_wait3A_29 = arith.constant 0 : i32
      %dma_wait3A_30 = tpu.memref_slice %arg3[%add3A, %run_scoped3A, %dma_wait3A_29] : memref<32x2x64xi32, #tpu.memory_space<hbm>> -> memref<1x1x64xi32, #tpu.memory_space<hbm>>
      %dma_wait3A_31 = tpu.memref_squeeze %dma_wait3A_30 : memref<1x1x64xi32, #tpu.memory_space<hbm>> -> memref<64xi32, #tpu.memory_space<hbm>>
      tpu.wait_dma2 semaphore(%run_scoped3A_19 : memref<!tpu.dma_semaphore, #tpu.memory_space<semaphore_mem>>) src(%dma_wait3A_31 : memref<64xi32, #tpu.memory_space<hbm>>) dst(%arg5 : memref<64xi32, #tpu.memory_space<vmem>>)
      tpu.yield
    }) : () -> ()
    %add3A_4 = arith.constant 0 : i32
    %add3A_5 = arith.addi %mul3A_3, %add3A_4 : i32
    "tpu.region"() ({
      %run_scoped3A_19 = tpu.sem_alloc : memref<!tpu.dma_semaphore, #tpu.memory_space<semaphore_mem>>
      %dma_start3A_20 = arith.constant 0 : i32
      %dma_start3A_21 = tpu.memref_slice %arg2[%add3A_5, %dma_start3A_20] : memref<2048x1024xf32, #tpu.memory_space<hbm>> -> memref<64x1024xf32, #tpu.memory_space<hbm>>
      %dma_start3A_22 = arith.constant 0 : i32
      %dma_start3A_23 = tpu.memref_slice %arg2[%add3A_5, %dma_start3A_22] : memref<2048x1024xf32, #tpu.memory_space<hbm>> -> memref<64x1024xf32, #tpu.memory_space<hbm>>
      tpu.enqueue_dma source(%dma_start3A_23 : memref<64x1024xf32, #tpu.memory_space<hbm>>) target(%arg6 : memref<64x1024xf32, #tpu.memory_space<vmem>>) target_semaphore(%run_scoped3A_19 : memref<!tpu.dma_semaphore, #tpu.memory_space<semaphore_mem>>)
      %dma_wait3A_24 = arith.constant 0 : i32
      %dma_wait3A_25 = tpu.memref_slice %arg2[%add3A_5, %dma_wait3A_24] : memref<2048x1024xf32, #tpu.memory_space<hbm>> -> memref<64x1024xf32, #tpu.memory_space<hbm>>
      %dma_wait3A_26 = arith.constant 0 : i32
      %dma_wait3A_27 = tpu.memref_slice %arg2[%add3A_5, %dma_wait3A_26] : memref<2048x1024xf32, #tpu.memory_space<hbm>> -> memref<64x1024xf32, #tpu.memory_space<hbm>>
      tpu.wait_dma2 semaphore(%run_scoped3A_19 : memref<!tpu.dma_semaphore, #tpu.memory_space<semaphore_mem>>) src(%dma_wait3A_27 : memref<64x1024xf32, #tpu.memory_space<hbm>>) dst(%arg6 : memref<64x1024xf32, #tpu.memory_space<vmem>>)
      tpu.yield
    }) : () -> ()
    %dma_start3A = arith.constant 0 : i32
    %dma_start3A_6 = arith.constant 0 : i32
    %dma_start3A_7 = tpu.memref_slice %arg4[%dma_start3A, %dma_start3A_6] : memref<8192x1024xf32, #tpu.memory_space<hbm>> -> memref<8192x1024xf32, #tpu.memory_space<hbm>>
    tpu.enqueue_indirect_dma source(%arg6 : memref<64x1024xf32, #tpu.memory_space<vmem>>) target(%dma_start3A_7 : memref<8192x1024xf32, #tpu.memory_space<hbm>>) offsets(%arg5 : memref<64xi32, #tpu.memory_space<vmem>>) semaphore(%arg7 : memref<!tpu.dma_semaphore, #tpu.memory_space<semaphore_mem>>)
    %dma_wait3A = arith.constant 0 : i32
    %dma_wait3A_8 = arith.constant 0 : i32
    %dma_wait3A_9 = tpu.memref_slice %arg4[%dma_wait3A, %dma_wait3A_8] : memref<8192x1024xf32, #tpu.memory_space<hbm>> -> memref<8192x1024xf32, #tpu.memory_space<hbm>>
    tpu.wait_indirect_dma semaphore(%arg7 : memref<!tpu.dma_semaphore, #tpu.memory_space<semaphore_mem>>) src(%arg6 : memref<64x1024xf32, #tpu.memory_space<vmem>>) dst(%dma_wait3A_9 : memref<8192x1024xf32, #tpu.memory_space<hbm>>)
    %run_scoped3A_10 = arith.constant 1 : i32
    "tpu.region"() ({
      %run_scoped3A_19 = tpu.sem_alloc : memref<!tpu.dma_semaphore, #tpu.memory_space<semaphore_mem>>
      %dma_start3A_20 = arith.constant 0 : i32
      %dma_start3A_21 = tpu.memref_slice %arg3[%add3A, %run_scoped3A_10, %dma_start3A_20] : memref<32x2x64xi32, #tpu.memory_space<hbm>> -> memref<1x1x64xi32, #tpu.memory_space<hbm>>
      %dma_start3A_22 = tpu.memref_squeeze %dma_start3A_21 : memref<1x1x64xi32, #tpu.memory_space<hbm>> -> memref<64xi32, #tpu.memory_space<hbm>>
      %dma_start3A_23 = arith.constant 0 : i32
      %dma_start3A_24 = tpu.memref_slice %arg3[%add3A, %run_scoped3A_10, %dma_start3A_23] : memref<32x2x64xi32, #tpu.memory_space<hbm>> -> memref<1x1x64xi32, #tpu.memory_space<hbm>>
      %dma_start3A_25 = tpu.memref_squeeze %dma_start3A_24 : memref<1x1x64xi32, #tpu.memory_space<hbm>> -> memref<64xi32, #tpu.memory_space<hbm>>
      tpu.enqueue_dma source(%dma_start3A_25 : memref<64xi32, #tpu.memory_space<hbm>>) target(%arg5 : memref<64xi32, #tpu.memory_space<vmem>>) target_semaphore(%run_scoped3A_19 : memref<!tpu.dma_semaphore, #tpu.memory_space<semaphore_mem>>)
      %dma_wait3A_26 = arith.constant 0 : i32
      %dma_wait3A_27 = tpu.memref_slice %arg3[%add3A, %run_scoped3A_10, %dma_wait3A_26] : memref<32x2x64xi32, #tpu.memory_space<hbm>> -> memref<1x1x64xi32, #tpu.memory_space<hbm>>
      %dma_wait3A_28 = tpu.memref_squeeze %dma_wait3A_27 : memref<1x1x64xi32, #tpu.memory_space<hbm>> -> memref<64xi32, #tpu.memory_space<hbm>>
      %dma_wait3A_29 = arith.constant 0 : i32
      %dma_wait3A_30 = tpu.memref_slice %arg3[%add3A, %run_scoped3A_10, %dma_wait3A_29] : memref<32x2x64xi32, #tpu.memory_space<hbm>> -> memref<1x1x64xi32, #tpu.memory_space<hbm>>
      %dma_wait3A_31 = tpu.memref_squeeze %dma_wait3A_30 : memref<1x1x64xi32, #tpu.memory_space<hbm>> -> memref<64xi32, #tpu.memory_space<hbm>>
      tpu.wait_dma2 semaphore(%run_scoped3A_19 : memref<!tpu.dma_semaphore, #tpu.memory_space<semaphore_mem>>) src(%dma_wait3A_31 : memref<64xi32, #tpu.memory_space<hbm>>) dst(%arg5 : memref<64xi32, #tpu.memory_space<vmem>>)
      tpu.yield
    }) : () -> ()
    %add3A_11 = arith.constant 64 : i32
    %add3A_12 = arith.addi %mul3A_3, %add3A_11 : i32
    "tpu.region"() ({
      %run_scoped3A_19 = tpu.sem_alloc : memref<!tpu.dma_semaphore, #tpu.memory_space<semaphore_mem>>
      %dma_start3A_20 = arith.constant 0 : i32
      %dma_start3A_21 = tpu.memref_slice %arg2[%add3A_12, %dma_start3A_20] : memref<2048x1024xf32, #tpu.memory_space<hbm>> -> memref<64x1024xf32, #tpu.memory_space<hbm>>
      %dma_start3A_22 = arith.constant 0 : i32
      %dma_start3A_23 = tpu.memref_slice %arg2[%add3A_12, %dma_start3A_22] : memref<2048x1024xf32, #tpu.memory_space<hbm>> -> memref<64x1024xf32, #tpu.memory_space<hbm>>
      tpu.enqueue_dma source(%dma_start3A_23 : memref<64x1024xf32, #tpu.memory_space<hbm>>) target(%arg6 : memref<64x1024xf32, #tpu.memory_space<vmem>>) target_semaphore(%run_scoped3A_19 : memref<!tpu.dma_semaphore, #tpu.memory_space<semaphore_mem>>)
      %dma_wait3A_24 = arith.constant 0 : i32
      %dma_wait3A_25 = tpu.memref_slice %arg2[%add3A_12, %dma_wait3A_24] : memref<2048x1024xf32, #tpu.memory_space<hbm>> -> memref<64x1024xf32, #tpu.memory_space<hbm>>
      %dma_wait3A_26 = arith.constant 0 : i32
      %dma_wait3A_27 = tpu.memref_slice %arg2[%add3A_12, %dma_wait3A_26] : memref<2048x1024xf32, #tpu.memory_space<hbm>> -> memref<64x1024xf32, #tpu.memory_space<hbm>>
      tpu.wait_dma2 semaphore(%run_scoped3A_19 : memref<!tpu.dma_semaphore, #tpu.memory_space<semaphore_mem>>) src(%dma_wait3A_27 : memref<64x1024xf32, #tpu.memory_space<hbm>>) dst(%arg6 : memref<64x1024xf32, #tpu.memory_space<vmem>>)
      tpu.yield
    }) : () -> ()
    %dma_start3A_13 = arith.constant 0 : i32
    %dma_start3A_14 = arith.constant 0 : i32
    %dma_start3A_15 = tpu.memref_slice %arg4[%dma_start3A_13, %dma_start3A_14] : memref<8192x1024xf32, #tpu.memory_space<hbm>> -> memref<8192x1024xf32, #tpu.memory_space<hbm>>
    tpu.enqueue_indirect_dma source(%arg6 : memref<64x1024xf32, #tpu.memory_space<vmem>>) target(%dma_start3A_15 : memref<8192x1024xf32, #tpu.memory_space<hbm>>) offsets(%arg5 : memref<64xi32, #tpu.memory_space<vmem>>) semaphore(%arg7 : memref<!tpu.dma_semaphore, #tpu.memory_space<semaphore_mem>>)
    %dma_wait3A_16 = arith.constant 0 : i32
    %dma_wait3A_17 = arith.constant 0 : i32
    %dma_wait3A_18 = tpu.memref_slice %arg4[%dma_wait3A_16, %dma_wait3A_17] : memref<8192x1024xf32, #tpu.memory_space<hbm>> -> memref<8192x1024xf32, #tpu.memory_space<hbm>>
    tpu.wait_indirect_dma semaphore(%arg7 : memref<!tpu.dma_semaphore, #tpu.memory_space<semaphore_mem>>) src(%arg6 : memref<64x1024xf32, #tpu.memory_space<vmem>>) dst(%dma_wait3A_18 : memref<8192x1024xf32, #tpu.memory_space<hbm>>)
    return
  }
}

#map = affine_map<(d0, d1) -> (0, 0)>
#map1 = affine_map<(d0, d1) -> (0, 0, 0)>
module attributes {stable_mosaic.version = 14 : i64} {
  func.func @run(%arg0: i32, %arg1: i32, %arg2: memref<8192x1024xf32, #tpu.memory_space<hbm>>, %arg3: memref<32x2x64xi32, #tpu.memory_space<hbm>>, %arg4: memref<4096x1024xf32, #tpu.memory_space<hbm>>, %arg5: memref<64xi32, #tpu.memory_space<vmem>>, %arg6: memref<64x1024xf32, #tpu.memory_space<vmem>>, %arg7: memref<!tpu.dma_semaphore, #tpu.memory_space<semaphore_mem>>) attributes {dimension_semantics = [#tpu.dimension_semantics<core_parallel>, #tpu.dimension_semantics<subcore_parallel>], iteration_bounds = array<i64: 2, 16>, scalar_prefetch = 0 : i64, scratch_operands = 3 : i64, tpu.core_type = #tpu.core_type<sc_vector_subcore>, window_params = [{transform_indices = #map}, {transform_indices = #map1}, {transform_indices = #map}]} {
    %mul3A = arith.constant 2 : i32
    %mul3A_0 = arith.muli %arg1, %mul3A : i32
    %add3A = arith.addi %mul3A_0, %arg0 : i32
    %mul3A_1 = arith.constant 128 : i32
    %mul3A_2 = arith.muli %add3A, %mul3A_1 : i32
    %run_scoped3A = arith.constant 0 : i32
    "tpu.region"() ({
      %run_scoped3A_18 = tpu.sem_alloc : memref<!tpu.dma_semaphore, #tpu.memory_space<semaphore_mem>>
      %dma_start3A_19 = arith.constant 0 : i32
      %dma_start3A_20 = tpu.memref_slice %arg3[%add3A, %run_scoped3A, %dma_start3A_19] : memref<32x2x64xi32, #tpu.memory_space<hbm>> -> memref<1x1x64xi32, #tpu.memory_space<hbm>>
      %dma_start3A_21 = tpu.memref_squeeze %dma_start3A_20 : memref<1x1x64xi32, #tpu.memory_space<hbm>> -> memref<64xi32, #tpu.memory_space<hbm>>
      %dma_start3A_22 = arith.constant 0 : i32
      %dma_start3A_23 = tpu.memref_slice %arg3[%add3A, %run_scoped3A, %dma_start3A_22] : memref<32x2x64xi32, #tpu.memory_space<hbm>> -> memref<1x1x64xi32, #tpu.memory_space<hbm>>
      %dma_start3A_24 = tpu.memref_squeeze %dma_start3A_23 : memref<1x1x64xi32, #tpu.memory_space<hbm>> -> memref<64xi32, #tpu.memory_space<hbm>>
      tpu.enqueue_dma source(%dma_start3A_24 : memref<64xi32, #tpu.memory_space<hbm>>) target(%arg5 : memref<64xi32, #tpu.memory_space<vmem>>) target_semaphore(%run_scoped3A_18 : memref<!tpu.dma_semaphore, #tpu.memory_space<semaphore_mem>>)
      %dma_wait3A_25 = arith.constant 0 : i32
      %dma_wait3A_26 = tpu.memref_slice %arg3[%add3A, %run_scoped3A, %dma_wait3A_25] : memref<32x2x64xi32, #tpu.memory_space<hbm>> -> memref<1x1x64xi32, #tpu.memory_space<hbm>>
      %dma_wait3A_27 = tpu.memref_squeeze %dma_wait3A_26 : memref<1x1x64xi32, #tpu.memory_space<hbm>> -> memref<64xi32, #tpu.memory_space<hbm>>
      %dma_wait3A_28 = arith.constant 0 : i32
      %dma_wait3A_29 = tpu.memref_slice %arg3[%add3A, %run_scoped3A, %dma_wait3A_28] : memref<32x2x64xi32, #tpu.memory_space<hbm>> -> memref<1x1x64xi32, #tpu.memory_space<hbm>>
      %dma_wait3A_30 = tpu.memref_squeeze %dma_wait3A_29 : memref<1x1x64xi32, #tpu.memory_space<hbm>> -> memref<64xi32, #tpu.memory_space<hbm>>
      tpu.wait_dma2 semaphore(%run_scoped3A_18 : memref<!tpu.dma_semaphore, #tpu.memory_space<semaphore_mem>>) src(%dma_wait3A_30 : memref<64xi32, #tpu.memory_space<hbm>>) dst(%arg5 : memref<64xi32, #tpu.memory_space<vmem>>)
      tpu.yield
    }) : () -> ()
    %dma_start3A = arith.constant 0 : i32
    %dma_start3A_3 = arith.constant 0 : i32
    %dma_start3A_4 = tpu.memref_slice %arg2[%dma_start3A, %dma_start3A_3] : memref<8192x1024xf32, #tpu.memory_space<hbm>> -> memref<8192x1024xf32, #tpu.memory_space<hbm>>
    tpu.enqueue_indirect_dma source(%dma_start3A_4 : memref<8192x1024xf32, #tpu.memory_space<hbm>>) target(%arg6 : memref<64x1024xf32, #tpu.memory_space<vmem>>) offsets(%arg5 : memref<64xi32, #tpu.memory_space<vmem>>) semaphore(%arg7 : memref<!tpu.dma_semaphore, #tpu.memory_space<semaphore_mem>>)
    %dma_wait3A = arith.constant 0 : i32
    %dma_wait3A_5 = arith.constant 0 : i32
    %dma_wait3A_6 = tpu.memref_slice %arg2[%dma_wait3A, %dma_wait3A_5] : memref<8192x1024xf32, #tpu.memory_space<hbm>> -> memref<8192x1024xf32, #tpu.memory_space<hbm>>
    tpu.wait_indirect_dma semaphore(%arg7 : memref<!tpu.dma_semaphore, #tpu.memory_space<semaphore_mem>>) src(%dma_wait3A_6 : memref<8192x1024xf32, #tpu.memory_space<hbm>>) dst(%arg6 : memref<64x1024xf32, #tpu.memory_space<vmem>>)
    %add3A_7 = arith.constant 0 : i32
    %add3A_8 = arith.addi %mul3A_2, %add3A_7 : i32
    "tpu.region"() ({
      %run_scoped3A_18 = tpu.sem_alloc : memref<!tpu.dma_semaphore, #tpu.memory_space<semaphore_mem>>
      %dma_start3A_19 = arith.constant 0 : i32
      %dma_start3A_20 = tpu.memref_slice %arg4[%add3A_8, %dma_start3A_19] : memref<4096x1024xf32, #tpu.memory_space<hbm>> -> memref<64x1024xf32, #tpu.memory_space<hbm>>
      %dma_start3A_21 = arith.constant 0 : i32
      %dma_start3A_22 = tpu.memref_slice %arg4[%add3A_8, %dma_start3A_21] : memref<4096x1024xf32, #tpu.memory_space<hbm>> -> memref<64x1024xf32, #tpu.memory_space<hbm>>
      tpu.enqueue_dma source(%arg6 : memref<64x1024xf32, #tpu.memory_space<vmem>>) target(%dma_start3A_22 : memref<64x1024xf32, #tpu.memory_space<hbm>>) target_semaphore(%run_scoped3A_18 : memref<!tpu.dma_semaphore, #tpu.memory_space<semaphore_mem>>)
      %dma_wait3A_23 = arith.constant 0 : i32
      %dma_wait3A_24 = tpu.memref_slice %arg4[%add3A_8, %dma_wait3A_23] : memref<4096x1024xf32, #tpu.memory_space<hbm>> -> memref<64x1024xf32, #tpu.memory_space<hbm>>
      %dma_wait3A_25 = arith.constant 0 : i32
      %dma_wait3A_26 = tpu.memref_slice %arg4[%add3A_8, %dma_wait3A_25] : memref<4096x1024xf32, #tpu.memory_space<hbm>> -> memref<64x1024xf32, #tpu.memory_space<hbm>>
      tpu.wait_dma2 semaphore(%run_scoped3A_18 : memref<!tpu.dma_semaphore, #tpu.memory_space<semaphore_mem>>) src(%arg6 : memref<64x1024xf32, #tpu.memory_space<vmem>>) dst(%dma_wait3A_26 : memref<64x1024xf32, #tpu.memory_space<hbm>>)
      tpu.yield
    }) : () -> ()
    %run_scoped3A_9 = arith.constant 1 : i32
    "tpu.region"() ({
      %run_scoped3A_18 = tpu.sem_alloc : memref<!tpu.dma_semaphore, #tpu.memory_space<semaphore_mem>>
      %dma_start3A_19 = arith.constant 0 : i32
      %dma_start3A_20 = tpu.memref_slice %arg3[%add3A, %run_scoped3A_9, %dma_start3A_19] : memref<32x2x64xi32, #tpu.memory_space<hbm>> -> memref<1x1x64xi32, #tpu.memory_space<hbm>>
      %dma_start3A_21 = tpu.memref_squeeze %dma_start3A_20 : memref<1x1x64xi32, #tpu.memory_space<hbm>> -> memref<64xi32, #tpu.memory_space<hbm>>
      %dma_start3A_22 = arith.constant 0 : i32
      %dma_start3A_23 = tpu.memref_slice %arg3[%add3A, %run_scoped3A_9, %dma_start3A_22] : memref<32x2x64xi32, #tpu.memory_space<hbm>> -> memref<1x1x64xi32, #tpu.memory_space<hbm>>
      %dma_start3A_24 = tpu.memref_squeeze %dma_start3A_23 : memref<1x1x64xi32, #tpu.memory_space<hbm>> -> memref<64xi32, #tpu.memory_space<hbm>>
      tpu.enqueue_dma source(%dma_start3A_24 : memref<64xi32, #tpu.memory_space<hbm>>) target(%arg5 : memref<64xi32, #tpu.memory_space<vmem>>) target_semaphore(%run_scoped3A_18 : memref<!tpu.dma_semaphore, #tpu.memory_space<semaphore_mem>>)
      %dma_wait3A_25 = arith.constant 0 : i32
      %dma_wait3A_26 = tpu.memref_slice %arg3[%add3A, %run_scoped3A_9, %dma_wait3A_25] : memref<32x2x64xi32, #tpu.memory_space<hbm>> -> memref<1x1x64xi32, #tpu.memory_space<hbm>>
      %dma_wait3A_27 = tpu.memref_squeeze %dma_wait3A_26 : memref<1x1x64xi32, #tpu.memory_space<hbm>> -> memref<64xi32, #tpu.memory_space<hbm>>
      %dma_wait3A_28 = arith.constant 0 : i32
      %dma_wait3A_29 = tpu.memref_slice %arg3[%add3A, %run_scoped3A_9, %dma_wait3A_28] : memref<32x2x64xi32, #tpu.memory_space<hbm>> -> memref<1x1x64xi32, #tpu.memory_space<hbm>>
      %dma_wait3A_30 = tpu.memref_squeeze %dma_wait3A_29 : memref<1x1x64xi32, #tpu.memory_space<hbm>> -> memref<64xi32, #tpu.memory_space<hbm>>
      tpu.wait_dma2 semaphore(%run_scoped3A_18 : memref<!tpu.dma_semaphore, #tpu.memory_space<semaphore_mem>>) src(%dma_wait3A_30 : memref<64xi32, #tpu.memory_space<hbm>>) dst(%arg5 : memref<64xi32, #tpu.memory_space<vmem>>)
      tpu.yield
    }) : () -> ()
    %dma_start3A_10 = arith.constant 0 : i32
    %dma_start3A_11 = arith.constant 0 : i32
    %dma_start3A_12 = tpu.memref_slice %arg2[%dma_start3A_10, %dma_start3A_11] : memref<8192x1024xf32, #tpu.memory_space<hbm>> -> memref<8192x1024xf32, #tpu.memory_space<hbm>>
    tpu.enqueue_indirect_dma source(%dma_start3A_12 : memref<8192x1024xf32, #tpu.memory_space<hbm>>) target(%arg6 : memref<64x1024xf32, #tpu.memory_space<vmem>>) offsets(%arg5 : memref<64xi32, #tpu.memory_space<vmem>>) semaphore(%arg7 : memref<!tpu.dma_semaphore, #tpu.memory_space<semaphore_mem>>)
    %dma_wait3A_13 = arith.constant 0 : i32
    %dma_wait3A_14 = arith.constant 0 : i32
    %dma_wait3A_15 = tpu.memref_slice %arg2[%dma_wait3A_13, %dma_wait3A_14] : memref<8192x1024xf32, #tpu.memory_space<hbm>> -> memref<8192x1024xf32, #tpu.memory_space<hbm>>
    tpu.wait_indirect_dma semaphore(%arg7 : memref<!tpu.dma_semaphore, #tpu.memory_space<semaphore_mem>>) src(%dma_wait3A_15 : memref<8192x1024xf32, #tpu.memory_space<hbm>>) dst(%arg6 : memref<64x1024xf32, #tpu.memory_space<vmem>>)
    %add3A_16 = arith.constant 64 : i32
    %add3A_17 = arith.addi %mul3A_2, %add3A_16 : i32
    "tpu.region"() ({
      %run_scoped3A_18 = tpu.sem_alloc : memref<!tpu.dma_semaphore, #tpu.memory_space<semaphore_mem>>
      %dma_start3A_19 = arith.constant 0 : i32
      %dma_start3A_20 = tpu.memref_slice %arg4[%add3A_17, %dma_start3A_19] : memref<4096x1024xf32, #tpu.memory_space<hbm>> -> memref<64x1024xf32, #tpu.memory_space<hbm>>
      %dma_start3A_21 = arith.constant 0 : i32
      %dma_start3A_22 = tpu.memref_slice %arg4[%add3A_17, %dma_start3A_21] : memref<4096x1024xf32, #tpu.memory_space<hbm>> -> memref<64x1024xf32, #tpu.memory_space<hbm>>
      tpu.enqueue_dma source(%arg6 : memref<64x1024xf32, #tpu.memory_space<vmem>>) target(%dma_start3A_22 : memref<64x1024xf32, #tpu.memory_space<hbm>>) target_semaphore(%run_scoped3A_18 : memref<!tpu.dma_semaphore, #tpu.memory_space<semaphore_mem>>)
      %dma_wait3A_23 = arith.constant 0 : i32
      %dma_wait3A_24 = tpu.memref_slice %arg4[%add3A_17, %dma_wait3A_23] : memref<4096x1024xf32, #tpu.memory_space<hbm>> -> memref<64x1024xf32, #tpu.memory_space<hbm>>
      %dma_wait3A_25 = arith.constant 0 : i32
      %dma_wait3A_26 = tpu.memref_slice %arg4[%add3A_17, %dma_wait3A_25] : memref<4096x1024xf32, #tpu.memory_space<hbm>> -> memref<64x1024xf32, #tpu.memory_space<hbm>>
      tpu.wait_dma2 semaphore(%run_scoped3A_18 : memref<!tpu.dma_semaphore, #tpu.memory_space<semaphore_mem>>) src(%arg6 : memref<64x1024xf32, #tpu.memory_space<vmem>>) dst(%dma_wait3A_26 : memref<64x1024xf32, #tpu.memory_space<hbm>>)
      tpu.yield
    }) : () -> ()
    return
  }
}

module attributes {stable_mosaic.version = 14 : i64} {
  func.func @_positions_body(%arg0: memref<2048x1xi32, #tpu.memory_space<vmem>>, %arg1: memref<2048x1xi32, #tpu.memory_space<vmem>>, %arg2: memref<2048x1xi32, #tpu.memory_space<vmem>>, %arg3: memref<2048x1xi32, #tpu.memory_space<vmem>>, %arg4: memref<16x1xi32, #tpu.memory_space<vmem>>) attributes {dimension_semantics = [], scalar_prefetch = 0 : i64, scratch_operands = 0 : i64, tpu.core_type = #tpu.core_type<tc>} {
    %iota3A = tpu.iota {dimensions = array<i32: 1>} : vector<2048x8xi32>
    %get3A = arith.constant 0 : index
    %get3A_0 = arith.constant 0 : index
    %get3A_1 = vector.load %arg0[%get3A, %get3A_0] : memref<2048x1xi32, #tpu.memory_space<vmem>>, vector<2048x1xi32>
    %eq3A = vector.broadcast %get3A_1 : vector<2048x1xi32> to vector<2048x8xi32>
    %eq3A_2 = arith.cmpi eq, %iota3A, %eq3A : vector<2048x8xi32>
    %convert_element_type3A = arith.extui %eq3A_2 : vector<2048x8xi1> to vector<2048x8xi32>
    %convert_element_type3A_3 = arith.sitofp %convert_element_type3A : vector<2048x8xi32> to vector<2048x8xf32>
    %get3A_4 = arith.constant 0 : index
    %get3A_5 = arith.constant 0 : index
    %get3A_6 = vector.load %arg1[%get3A_4, %get3A_5] : memref<2048x1xi32, #tpu.memory_space<vmem>>, vector<2048x1xi32>
    %eq3A_7 = vector.broadcast %get3A_6 : vector<2048x1xi32> to vector<2048x8xi32>
    %eq3A_8 = arith.cmpi eq, %iota3A, %eq3A_7 : vector<2048x8xi32>
    %convert_element_type3A_9 = arith.extui %eq3A_8 : vector<2048x8xi1> to vector<2048x8xi32>
    %convert_element_type3A_10 = arith.sitofp %convert_element_type3A_9 : vector<2048x8xi32> to vector<2048x8xf32>
    %reduce_sum3A = arith.constant dense<0.000000e+00> : vector<8xf32>
    %reduce_sum3A_11 = vector.multi_reduction <add>, %convert_element_type3A_3, %reduce_sum3A [0] : vector<2048x8xf32> to vector<8xf32>
    %broadcast_in_dim3A = vector.shape_cast %reduce_sum3A_11 : vector<8xf32> to vector<1x8xf32>
    %reduce_sum3A_12 = arith.constant dense<0.000000e+00> : vector<8xf32>
    %reduce_sum3A_13 = vector.multi_reduction <add>, %convert_element_type3A_10, %reduce_sum3A_12 [0] : vector<2048x8xf32> to vector<8xf32>
    %broadcast_in_dim3A_14 = vector.shape_cast %reduce_sum3A_13 : vector<8xf32> to vector<1x8xf32>
    %add3A = arith.addf %broadcast_in_dim3A, %broadcast_in_dim3A_14 : vector<1x8xf32>
    %convert_element_type3A_15 = arith.fptosi %add3A : vector<1x8xf32> to vector<1x8xi32>
    %add3A_16 = arith.constant 511 : i32
    %add3A_17 = vector.broadcast %add3A_16 : i32 to vector<1x8xi32>
    %add3A_18 = arith.addi %convert_element_type3A_15, %add3A_17 : vector<1x8xi32>
    %jit3A = arith.constant 512 : i32
    %div3A = vector.broadcast %jit3A : i32 to vector<1x8xi32>
    %div3A_19 = arith.divsi %add3A_18, %div3A : vector<1x8xi32>
    %sign3A = arith.constant 0 : i32
    %sign3A_20 = vector.broadcast %sign3A : i32 to vector<1x8xi32>
    %sign3A_21 = arith.cmpi sgt, %add3A_18, %sign3A_20 : vector<1x8xi32>
    %sign3A_22 = arith.extui %sign3A_21 : vector<1x8xi1> to vector<1x8xi32>
    %sign3A_23 = arith.constant 0 : i32
    %sign3A_24 = vector.broadcast %sign3A_23 : i32 to vector<1x8xi32>
    %sign3A_25 = arith.cmpi slt, %add3A_18, %sign3A_24 : vector<1x8xi32>
    %sign3A_26 = arith.extui %sign3A_25 : vector<1x8xi1> to vector<1x8xi32>
    %sign3A_27 = arith.subi %sign3A_22, %sign3A_26 : vector<1x8xi32>
    %sign3A_28 = arith.constant 0 : i32
    %sign3A_29 = arith.cmpi sgt, %jit3A, %sign3A_28 : i32
    %sign3A_30 = arith.extui %sign3A_29 : i1 to i32
    %sign3A_31 = arith.constant 0 : i32
    %sign3A_32 = arith.cmpi slt, %jit3A, %sign3A_31 : i32
    %sign3A_33 = arith.extui %sign3A_32 : i1 to i32
    %sign3A_34 = arith.subi %sign3A_30, %sign3A_33 : i32
    %ne3A = vector.broadcast %sign3A_34 : i32 to vector<1x8xi32>
    %ne3A_35 = arith.cmpi ne, %sign3A_27, %ne3A : vector<1x8xi32>
    %rem3A = vector.broadcast %jit3A : i32 to vector<1x8xi32>
    %rem3A_36 = arith.remsi %add3A_18, %rem3A : vector<1x8xi32>
    %ne3A_37 = arith.constant 0 : i32
    %ne3A_38 = vector.broadcast %ne3A_37 : i32 to vector<1x8xi32>
    %ne3A_39 = arith.cmpi ne, %rem3A_36, %ne3A_38 : vector<1x8xi32>
    %and3A = arith.andi %ne3A_35, %ne3A_39 : vector<1x8xi1>
    %sub3A = arith.constant 1 : i32
    %sub3A_40 = vector.broadcast %sub3A : i32 to vector<1x8xi32>
    %sub3A_41 = arith.subi %div3A_19, %sub3A_40 : vector<1x8xi32>
    %select_n3A = arith.select %and3A, %sub3A_41, %div3A_19 : vector<1x8xi1>, vector<1x8xi32>
    %mul3A = arith.constant 512 : i32
    %mul3A_42 = vector.broadcast %mul3A : i32 to vector<1x8xi32>
    %mul3A_43 = arith.muli %select_n3A, %mul3A_42 : vector<1x8xi32>
    %convert_element_type3A_44 = arith.sitofp %mul3A_43 : vector<1x8xi32> to vector<1x8xf32>
    %iota3A_45 = tpu.iota {dimensions = array<i32: 0>} : vector<8x8xi32>
    %iota3A_46 = tpu.iota {dimensions = array<i32: 1>} : vector<8x8xi32>
    %lt3A = arith.cmpi slt, %iota3A_45, %iota3A_46 : vector<8x8xi32>
    %convert_element_type3A_47 = arith.extui %lt3A : vector<8x8xi1> to vector<8x8xi32>
    %convert_element_type3A_48 = arith.sitofp %convert_element_type3A_47 : vector<8x8xi32> to vector<8x8xf32>
    %dot_general3A = arith.constant dense<0.000000e+00> : vector<1x8xf32>
    %dot_general3A_49 = tpu.matmul %convert_element_type3A_44, %convert_element_type3A_48, %dot_general3A {dimension_numbers = #tpu.dot_dimension_numbers<[1], [0], [0], [1], [0, 0, 1, 1], [], []>, transpose_lhs_hint = false} : vector<1x8xf32>, vector<8x8xf32>, vector<1x8xf32> -> vector<1x8xf32>
    %broadcast_in_dim3A_50 = arith.constant 0.000000e+00 : f32
    %broadcast_in_dim3A_51 = vector.broadcast %broadcast_in_dim3A_50 : f32 to vector<1x8xf32>
    %iota3A_52 = tpu.iota {dimensions = array<i32: 0>} : vector<512x2048xi32>
    %iota3A_53 = tpu.iota {dimensions = array<i32: 1>} : vector<512x2048xi32>
    %add3A_54 = arith.constant 0 : i32
    %add3A_55 = vector.broadcast %add3A_54 : i32 to vector<512x2048xi32>
    %add3A_56 = arith.addi %iota3A_52, %add3A_55 : vector<512x2048xi32>
    %gt3A = arith.cmpi sgt, %add3A_56, %iota3A_53 : vector<512x2048xi32>
    %convert_element_type3A_57 = arith.extui %gt3A : vector<512x2048xi1> to vector<512x2048xi32>
    %convert_element_type3A_58 = arith.sitofp %convert_element_type3A_57 : vector<512x2048xi32> to vector<512x2048xf32>
    %slice3A = vector.extract_strided_slice %convert_element_type3A_3 {offsets = [0, 0], sizes = [512, 8], strides = [1, 1]} : vector<2048x8xf32> to vector<512x8xf32>
    %slice3A_59 = vector.extract_strided_slice %convert_element_type3A_10 {offsets = [0, 0], sizes = [512, 8], strides = [1, 1]} : vector<2048x8xf32> to vector<512x8xf32>
    %dot_general3A_60 = arith.constant dense<0.000000e+00> : vector<512x8xf32>
    %dot_general3A_61 = tpu.matmul %convert_element_type3A_58, %convert_element_type3A_3, %dot_general3A_60 {dimension_numbers = #tpu.dot_dimension_numbers<[1], [0], [0], [1], [0, 0, 1, 1], [], []>, transpose_lhs_hint = false} : vector<512x2048xf32>, vector<2048x8xf32>, vector<512x8xf32> -> vector<512x8xf32>
    %add3A_62 = vector.broadcast %broadcast_in_dim3A_51 : vector<1x8xf32> to vector<512x8xf32>
    %add3A_63 = arith.addf %dot_general3A_61, %add3A_62 : vector<512x8xf32>
    %dot_general3A_64 = arith.constant dense<0.000000e+00> : vector<512x8xf32>
    %dot_general3A_65 = tpu.matmul %convert_element_type3A_58, %convert_element_type3A_10, %dot_general3A_64 {dimension_numbers = #tpu.dot_dimension_numbers<[1], [0], [0], [1], [0, 0, 1, 1], [], []>, transpose_lhs_hint = false} : vector<512x2048xf32>, vector<2048x8xf32>, vector<512x8xf32> -> vector<512x8xf32>
    %add3A_66 = vector.broadcast %broadcast_in_dim3A : vector<1x8xf32> to vector<512x8xf32>
    %add3A_67 = arith.addf %dot_general3A_65, %add3A_66 : vector<512x8xf32>
    %add3A_68 = vector.broadcast %dot_general3A_49 : vector<1x8xf32> to vector<512x8xf32>
    %add3A_69 = arith.addf %add3A_63, %add3A_68 : vector<512x8xf32>
    %mul3A_70 = arith.mulf %slice3A, %add3A_69 : vector<512x8xf32>
    %reduce_sum3A_71 = arith.constant dense<0.000000e+00> : vector<512xf32>
    %reduce_sum3A_72 = vector.multi_reduction <add>, %mul3A_70, %reduce_sum3A_71 [1] : vector<512x8xf32> to vector<512xf32>
    %broadcast_in_dim3A_73 = vector.shape_cast %reduce_sum3A_72 : vector<512xf32> to vector<512x1xf32>
    %convert_element_type3A_74 = arith.fptosi %broadcast_in_dim3A_73 : vector<512x1xf32> to vector<512x1xi32>
    %swap3A = arith.constant 0 : index
    %swap3A_75 = arith.constant 0 : index
    %swap3A_76 = vector.load %arg2[%swap3A, %swap3A_75] : memref<2048x1xi32, #tpu.memory_space<vmem>>, vector<512x1xi32>
    tpu.vector_store %arg2[%swap3A, %swap3A_75], %convert_element_type3A_74 {strides = array<i32>} : memref<2048x1xi32, #tpu.memory_space<vmem>>, vector<512x1xi32>,
    %add3A_77 = vector.broadcast %dot_general3A_49 : vector<1x8xf32> to vector<512x8xf32>
    %add3A_78 = arith.addf %add3A_67, %add3A_77 : vector<512x8xf32>
    %mul3A_79 = arith.mulf %slice3A_59, %add3A_78 : vector<512x8xf32>
    %reduce_sum3A_80 = arith.constant dense<0.000000e+00> : vector<512xf32>
    %reduce_sum3A_81 = vector.multi_reduction <add>, %mul3A_79, %reduce_sum3A_80 [1] : vector<512x8xf32> to vector<512xf32>
    %broadcast_in_dim3A_82 = vector.shape_cast %reduce_sum3A_81 : vector<512xf32> to vector<512x1xf32>
    %convert_element_type3A_83 = arith.fptosi %broadcast_in_dim3A_82 : vector<512x1xf32> to vector<512x1xi32>
    %swap3A_84 = arith.constant 0 : index
    %swap3A_85 = arith.constant 0 : index
    %swap3A_86 = vector.load %arg3[%swap3A_84, %swap3A_85] : memref<2048x1xi32, #tpu.memory_space<vmem>>, vector<512x1xi32>
    tpu.vector_store %arg3[%swap3A_84, %swap3A_85], %convert_element_type3A_83 {strides = array<i32>} : memref<2048x1xi32, #tpu.memory_space<vmem>>, vector<512x1xi32>,
    %add3A_87 = arith.constant 512 : i32
    %add3A_88 = vector.broadcast %add3A_87 : i32 to vector<512x2048xi32>
    %add3A_89 = arith.addi %iota3A_52, %add3A_88 : vector<512x2048xi32>
    %gt3A_90 = arith.cmpi sgt, %add3A_89, %iota3A_53 : vector<512x2048xi32>
    %convert_element_type3A_91 = arith.extui %gt3A_90 : vector<512x2048xi1> to vector<512x2048xi32>
    %convert_element_type3A_92 = arith.sitofp %convert_element_type3A_91 : vector<512x2048xi32> to vector<512x2048xf32>
    %slice3A_93 = vector.extract_strided_slice %convert_element_type3A_3 {offsets = [512, 0], sizes = [512, 8], strides = [1, 1]} : vector<2048x8xf32> to vector<512x8xf32>
    %slice3A_94 = vector.extract_strided_slice %convert_element_type3A_10 {offsets = [512, 0], sizes = [512, 8], strides = [1, 1]} : vector<2048x8xf32> to vector<512x8xf32>
    %dot_general3A_95 = arith.constant dense<0.000000e+00> : vector<512x8xf32>
    %dot_general3A_96 = tpu.matmul %convert_element_type3A_92, %convert_element_type3A_3, %dot_general3A_95 {dimension_numbers = #tpu.dot_dimension_numbers<[1], [0], [0], [1], [0, 0, 1, 1], [], []>, transpose_lhs_hint = false} : vector<512x2048xf32>, vector<2048x8xf32>, vector<512x8xf32> -> vector<512x8xf32>
    %add3A_97 = vector.broadcast %broadcast_in_dim3A_51 : vector<1x8xf32> to vector<512x8xf32>
    %add3A_98 = arith.addf %dot_general3A_96, %add3A_97 : vector<512x8xf32>
    %dot_general3A_99 = arith.constant dense<0.000000e+00> : vector<512x8xf32>
    %dot_general3A_100 = tpu.matmul %convert_element_type3A_92, %convert_element_type3A_10, %dot_general3A_99 {dimension_numbers = #tpu.dot_dimension_numbers<[1], [0], [0], [1], [0, 0, 1, 1], [], []>, transpose_lhs_hint = false} : vector<512x2048xf32>, vector<2048x8xf32>, vector<512x8xf32> -> vector<512x8xf32>
    %add3A_101 = vector.broadcast %broadcast_in_dim3A : vector<1x8xf32> to vector<512x8xf32>
    %add3A_102 = arith.addf %dot_general3A_100, %add3A_101 : vector<512x8xf32>
    %add3A_103 = vector.broadcast %dot_general3A_49 : vector<1x8xf32> to vector<512x8xf32>
    %add3A_104 = arith.addf %add3A_98, %add3A_103 : vector<512x8xf32>
    %mul3A_105 = arith.mulf %slice3A_93, %add3A_104 : vector<512x8xf32>
    %reduce_sum3A_106 = arith.constant dense<0.000000e+00> : vector<512xf32>
    %reduce_sum3A_107 = vector.multi_reduction <add>, %mul3A_105, %reduce_sum3A_106 [1] : vector<512x8xf32> to vector<512xf32>
    %broadcast_in_dim3A_108 = vector.shape_cast %reduce_sum3A_107 : vector<512xf32> to vector<512x1xf32>
    %convert_element_type3A_109 = arith.fptosi %broadcast_in_dim3A_108 : vector<512x1xf32> to vector<512x1xi32>
    %swap3A_110 = arith.constant 512 : index
    %swap3A_111 = arith.constant 0 : index
    %swap3A_112 = vector.load %arg2[%swap3A_110, %swap3A_111] : memref<2048x1xi32, #tpu.memory_space<vmem>>, vector<512x1xi32>
    tpu.vector_store %arg2[%swap3A_110, %swap3A_111], %convert_element_type3A_109 {strides = array<i32>} : memref<2048x1xi32, #tpu.memory_space<vmem>>, vector<512x1xi32>,
    %add3A_113 = vector.broadcast %dot_general3A_49 : vector<1x8xf32> to vector<512x8xf32>
    %add3A_114 = arith.addf %add3A_102, %add3A_113 : vector<512x8xf32>
    %mul3A_115 = arith.mulf %slice3A_94, %add3A_114 : vector<512x8xf32>
    %reduce_sum3A_116 = arith.constant dense<0.000000e+00> : vector<512xf32>
    %reduce_sum3A_117 = vector.multi_reduction <add>, %mul3A_115, %reduce_sum3A_116 [1] : vector<512x8xf32> to vector<512xf32>
    %broadcast_in_dim3A_118 = vector.shape_cast %reduce_sum3A_117 : vector<512xf32> to vector<512x1xf32>
    %convert_element_type3A_119 = arith.fptosi %broadcast_in_dim3A_118 : vector<512x1xf32> to vector<512x1xi32>
    %swap3A_120 = arith.constant 512 : index
    %swap3A_121 = arith.constant 0 : index
    %swap3A_122 = vector.load %arg3[%swap3A_120, %swap3A_121] : memref<2048x1xi32, #tpu.memory_space<vmem>>, vector<512x1xi32>
    tpu.vector_store %arg3[%swap3A_120, %swap3A_121], %convert_element_type3A_119 {strides = array<i32>} : memref<2048x1xi32, #tpu.memory_space<vmem>>, vector<512x1xi32>,
    %add3A_123 = arith.constant 1024 : i32
    %add3A_124 = vector.broadcast %add3A_123 : i32 to vector<512x2048xi32>
    %add3A_125 = arith.addi %iota3A_52, %add3A_124 : vector<512x2048xi32>
    %gt3A_126 = arith.cmpi sgt, %add3A_125, %iota3A_53 : vector<512x2048xi32>
    %convert_element_type3A_127 = arith.extui %gt3A_126 : vector<512x2048xi1> to vector<512x2048xi32>
    %convert_element_type3A_128 = arith.sitofp %convert_element_type3A_127 : vector<512x2048xi32> to vector<512x2048xf32>
    %slice3A_129 = vector.extract_strided_slice %convert_element_type3A_3 {offsets = [1024, 0], sizes = [512, 8], strides = [1, 1]} : vector<2048x8xf32> to vector<512x8xf32>
    %slice3A_130 = vector.extract_strided_slice %convert_element_type3A_10 {offsets = [1024, 0], sizes = [512, 8], strides = [1, 1]} : vector<2048x8xf32> to vector<512x8xf32>
    %dot_general3A_131 = arith.constant dense<0.000000e+00> : vector<512x8xf32>
    %dot_general3A_132 = tpu.matmul %convert_element_type3A_128, %convert_element_type3A_3, %dot_general3A_131 {dimension_numbers = #tpu.dot_dimension_numbers<[1], [0], [0], [1], [0, 0, 1, 1], [], []>, transpose_lhs_hint = false} : vector<512x2048xf32>, vector<2048x8xf32>, vector<512x8xf32> -> vector<512x8xf32>
    %add3A_133 = vector.broadcast %broadcast_in_dim3A_51 : vector<1x8xf32> to vector<512x8xf32>
    %add3A_134 = arith.addf %dot_general3A_132, %add3A_133 : vector<512x8xf32>
    %dot_general3A_135 = arith.constant dense<0.000000e+00> : vector<512x8xf32>
    %dot_general3A_136 = tpu.matmul %convert_element_type3A_128, %convert_element_type3A_10, %dot_general3A_135 {dimension_numbers = #tpu.dot_dimension_numbers<[1], [0], [0], [1], [0, 0, 1, 1], [], []>, transpose_lhs_hint = false} : vector<512x2048xf32>, vector<2048x8xf32>, vector<512x8xf32> -> vector<512x8xf32>
    %add3A_137 = vector.broadcast %broadcast_in_dim3A : vector<1x8xf32> to vector<512x8xf32>
    %add3A_138 = arith.addf %dot_general3A_136, %add3A_137 : vector<512x8xf32>
    %add3A_139 = vector.broadcast %dot_general3A_49 : vector<1x8xf32> to vector<512x8xf32>
    %add3A_140 = arith.addf %add3A_134, %add3A_139 : vector<512x8xf32>
    %mul3A_141 = arith.mulf %slice3A_129, %add3A_140 : vector<512x8xf32>
    %reduce_sum3A_142 = arith.constant dense<0.000000e+00> : vector<512xf32>
    %reduce_sum3A_143 = vector.multi_reduction <add>, %mul3A_141, %reduce_sum3A_142 [1] : vector<512x8xf32> to vector<512xf32>
    %broadcast_in_dim3A_144 = vector.shape_cast %reduce_sum3A_143 : vector<512xf32> to vector<512x1xf32>
    %convert_element_type3A_145 = arith.fptosi %broadcast_in_dim3A_144 : vector<512x1xf32> to vector<512x1xi32>
    %swap3A_146 = arith.constant 1024 : index
    %swap3A_147 = arith.constant 0 : index
    %swap3A_148 = vector.load %arg2[%swap3A_146, %swap3A_147] : memref<2048x1xi32, #tpu.memory_space<vmem>>, vector<512x1xi32>
    tpu.vector_store %arg2[%swap3A_146, %swap3A_147], %convert_element_type3A_145 {strides = array<i32>} : memref<2048x1xi32, #tpu.memory_space<vmem>>, vector<512x1xi32>,
    %add3A_149 = vector.broadcast %dot_general3A_49 : vector<1x8xf32> to vector<512x8xf32>
    %add3A_150 = arith.addf %add3A_138, %add3A_149 : vector<512x8xf32>
    %mul3A_151 = arith.mulf %slice3A_130, %add3A_150 : vector<512x8xf32>
    %reduce_sum3A_152 = arith.constant dense<0.000000e+00> : vector<512xf32>
    %reduce_sum3A_153 = vector.multi_reduction <add>, %mul3A_151, %reduce_sum3A_152 [1] : vector<512x8xf32> to vector<512xf32>
    %broadcast_in_dim3A_154 = vector.shape_cast %reduce_sum3A_153 : vector<512xf32> to vector<512x1xf32>
    %convert_element_type3A_155 = arith.fptosi %broadcast_in_dim3A_154 : vector<512x1xf32> to vector<512x1xi32>
    %swap3A_156 = arith.constant 1024 : index
    %swap3A_157 = arith.constant 0 : index
    %swap3A_158 = vector.load %arg3[%swap3A_156, %swap3A_157] : memref<2048x1xi32, #tpu.memory_space<vmem>>, vector<512x1xi32>
    tpu.vector_store %arg3[%swap3A_156, %swap3A_157], %convert_element_type3A_155 {strides = array<i32>} : memref<2048x1xi32, #tpu.memory_space<vmem>>, vector<512x1xi32>,
    %add3A_159 = arith.constant 1536 : i32
    %add3A_160 = vector.broadcast %add3A_159 : i32 to vector<512x2048xi32>
    %add3A_161 = arith.addi %iota3A_52, %add3A_160 : vector<512x2048xi32>
    %gt3A_162 = arith.cmpi sgt, %add3A_161, %iota3A_53 : vector<512x2048xi32>
    %convert_element_type3A_163 = arith.extui %gt3A_162 : vector<512x2048xi1> to vector<512x2048xi32>
    %convert_element_type3A_164 = arith.sitofp %convert_element_type3A_163 : vector<512x2048xi32> to vector<512x2048xf32>
    %slice3A_165 = vector.extract_strided_slice %convert_element_type3A_3 {offsets = [1536, 0], sizes = [512, 8], strides = [1, 1]} : vector<2048x8xf32> to vector<512x8xf32>
    %slice3A_166 = vector.extract_strided_slice %convert_element_type3A_10 {offsets = [1536, 0], sizes = [512, 8], strides = [1, 1]} : vector<2048x8xf32> to vector<512x8xf32>
    %dot_general3A_167 = arith.constant dense<0.000000e+00> : vector<512x8xf32>
    %dot_general3A_168 = tpu.matmul %convert_element_type3A_164, %convert_element_type3A_3, %dot_general3A_167 {dimension_numbers = #tpu.dot_dimension_numbers<[1], [0], [0], [1], [0, 0, 1, 1], [], []>, transpose_lhs_hint = false} : vector<512x2048xf32>, vector<2048x8xf32>, vector<512x8xf32> -> vector<512x8xf32>
    %add3A_169 = vector.broadcast %broadcast_in_dim3A_51 : vector<1x8xf32> to vector<512x8xf32>
    %add3A_170 = arith.addf %dot_general3A_168, %add3A_169 : vector<512x8xf32>
    %dot_general3A_171 = arith.constant dense<0.000000e+00> : vector<512x8xf32>
    %dot_general3A_172 = tpu.matmul %convert_element_type3A_164, %convert_element_type3A_10, %dot_general3A_171 {dimension_numbers = #tpu.dot_dimension_numbers<[1], [0], [0], [1], [0, 0, 1, 1], [], []>, transpose_lhs_hint = false} : vector<512x2048xf32>, vector<2048x8xf32>, vector<512x8xf32> -> vector<512x8xf32>
    %add3A_173 = vector.broadcast %broadcast_in_dim3A : vector<1x8xf32> to vector<512x8xf32>
    %add3A_174 = arith.addf %dot_general3A_172, %add3A_173 : vector<512x8xf32>
    %add3A_175 = vector.broadcast %dot_general3A_49 : vector<1x8xf32> to vector<512x8xf32>
    %add3A_176 = arith.addf %add3A_170, %add3A_175 : vector<512x8xf32>
    %mul3A_177 = arith.mulf %slice3A_165, %add3A_176 : vector<512x8xf32>
    %reduce_sum3A_178 = arith.constant dense<0.000000e+00> : vector<512xf32>
    %reduce_sum3A_179 = vector.multi_reduction <add>, %mul3A_177, %reduce_sum3A_178 [1] : vector<512x8xf32> to vector<512xf32>
    %broadcast_in_dim3A_180 = vector.shape_cast %reduce_sum3A_179 : vector<512xf32> to vector<512x1xf32>
    %convert_element_type3A_181 = arith.fptosi %broadcast_in_dim3A_180 : vector<512x1xf32> to vector<512x1xi32>
    %swap3A_182 = arith.constant 1536 : index
    %swap3A_183 = arith.constant 0 : index
    %swap3A_184 = vector.load %arg2[%swap3A_182, %swap3A_183] : memref<2048x1xi32, #tpu.memory_space<vmem>>, vector<512x1xi32>
    tpu.vector_store %arg2[%swap3A_182, %swap3A_183], %convert_element_type3A_181 {strides = array<i32>} : memref<2048x1xi32, #tpu.memory_space<vmem>>, vector<512x1xi32>,
    %add3A_185 = vector.broadcast %dot_general3A_49 : vector<1x8xf32> to vector<512x8xf32>
    %add3A_186 = arith.addf %add3A_174, %add3A_185 : vector<512x8xf32>
    %mul3A_187 = arith.mulf %slice3A_166, %add3A_186 : vector<512x8xf32>
    %reduce_sum3A_188 = arith.constant dense<0.000000e+00> : vector<512xf32>
    %reduce_sum3A_189 = vector.multi_reduction <add>, %mul3A_187, %reduce_sum3A_188 [1] : vector<512x8xf32> to vector<512xf32>
    %broadcast_in_dim3A_190 = vector.shape_cast %reduce_sum3A_189 : vector<512xf32> to vector<512x1xf32>
    %convert_element_type3A_191 = arith.fptosi %broadcast_in_dim3A_190 : vector<512x1xf32> to vector<512x1xi32>
    %swap3A_192 = arith.constant 1536 : index
    %swap3A_193 = arith.constant 0 : index
    %swap3A_194 = vector.load %arg3[%swap3A_192, %swap3A_193] : memref<2048x1xi32, #tpu.memory_space<vmem>>, vector<512x1xi32>
    tpu.vector_store %arg3[%swap3A_192, %swap3A_193], %convert_element_type3A_191 {strides = array<i32>} : memref<2048x1xi32, #tpu.memory_space<vmem>>, vector<512x1xi32>,
    %add3A_195 = arith.addf %dot_general3A_49, %convert_element_type3A_44 : vector<1x8xf32>
    %iota3A_196 = tpu.iota {dimensions = array<i32: 0>} : vector<16x8xi32>
    %mul3A_197 = arith.constant 512 : i32
    %mul3A_198 = vector.broadcast %mul3A_197 : i32 to vector<16x8xi32>
    %mul3A_199 = arith.muli %iota3A_196, %mul3A_198 : vector<16x8xi32>
    %convert_element_type3A_200 = arith.sitofp %mul3A_199 : vector<16x8xi32> to vector<16x8xf32>
    %ge3A = vector.broadcast %add3A_195 : vector<1x8xf32> to vector<16x8xf32>
    %ge3A_201 = arith.cmpf oge, %convert_element_type3A_200, %ge3A : vector<16x8xf32>
    %convert_element_type3A_202 = arith.extui %ge3A_201 : vector<16x8xi1> to vector<16x8xi32>
    %reduce_sum3A_203 = arith.constant dense<0> : vector<16xi32>
    %reduce_sum3A_204 = vector.multi_reduction <add>, %convert_element_type3A_202, %reduce_sum3A_203 [1] : vector<16x8xi32> to vector<16xi32>
    %broadcast_in_dim3A_205 = vector.shape_cast %reduce_sum3A_204 : vector<16xi32> to vector<16x1xi32>
    %min3A = arith.constant 7 : i32
    %min3A_206 = vector.broadcast %min3A : i32 to vector<16x1xi32>
    %min3A_207 = arith.minsi %broadcast_in_dim3A_205, %min3A_206 : vector<16x1xi32>
    %swap3A_208 = arith.constant 0 : index
    %swap3A_209 = arith.constant 0 : index
    %swap3A_210 = vector.load %arg4[%swap3A_208, %swap3A_209] : memref<16x1xi32, #tpu.memory_space<vmem>>, vector<16x1xi32>
    tpu.vector_store %arg4[%swap3A_208, %swap3A_209], %min3A_207 {strides = array<i32>} : memref<16x1xi32, #tpu.memory_space<vmem>>, vector<16x1xi32>,
    return
  }
}

module attributes {stable_mosaic.version = 14 : i64} {
  func.func @_router_body(%arg0: i32, %arg1: memref<1024x1024xf32, #tpu.memory_space<vmem>>, %arg2: memref<1024xf32, #tpu.memory_space<vmem>>, %arg3: memref<1024x1024xf32, #tpu.memory_space<vmem>>, %arg4: memref<1024xf32, #tpu.memory_space<vmem>>, %arg5: memref<1024x8xf32, #tpu.memory_space<vmem>>, %arg6: memref<8xf32, #tpu.memory_space<vmem>>, %arg7: memref<1024x1024xf32, #tpu.memory_space<vmem>>, %arg8: memref<1024x8xf32, #tpu.memory_space<vmem>>, %arg9: memref<1024x1xi32, #tpu.memory_space<vmem>>, %arg10: memref<1024x1xi32, #tpu.memory_space<vmem>>, %arg11: memref<1024x1xf32, #tpu.memory_space<vmem>>, %arg12: memref<1024x1xf32, #tpu.memory_space<vmem>>) attributes {dimension_semantics = [#tpu.dimension_semantics<arbitrary>], iteration_bounds = array<i64: 2>, scalar_prefetch = 0 : i64, scratch_operands = 0 : i64, tpu.core_type = #tpu.core_type<tc>, window_params = [{transform_indices = @transform_0, window_bounds = array<i64: 1024, 1024>}, {pipeline_mode = #tpu.pipeline_mode<synchronous>, transform_indices = @transform_1, window_bounds = array<i64: 1024>}, {pipeline_mode = #tpu.pipeline_mode<synchronous>, transform_indices = @transform_2, window_bounds = array<i64: 1024, 1024>}, {pipeline_mode = #tpu.pipeline_mode<synchronous>, transform_indices = @transform_3, window_bounds = array<i64: 1024>}, {pipeline_mode = #tpu.pipeline_mode<synchronous>, transform_indices = @transform_4, window_bounds = array<i64: 1024, 8>}, {pipeline_mode = #tpu.pipeline_mode<synchronous>, transform_indices = @transform_5, window_bounds = array<i64: 8>}, {transform_indices = @transform_6, window_bounds = array<i64: 1024, 1024>}, {transform_indices = @transform_7, window_bounds = array<i64: 1024, 8>}, {transform_indices = @transform_8, window_bounds = array<i64: 1024, 1>}, {transform_indices = @transform_9, window_bounds = array<i64: 1024, 1>}, {transform_indices = @transform_10, window_bounds = array<i64: 1024, 1>}, {transform_indices = @transform_11, window_bounds = array<i64: 1024, 1>}]} {
    %get3A = arith.constant 0 : index
    %get3A_0 = arith.constant 0 : index
    %get3A_1 = vector.load %arg1[%get3A, %get3A_0] : memref<1024x1024xf32, #tpu.memory_space<vmem>>, vector<1024x1024xf32>
    %get3A_2 = arith.constant 0 : index
    %get3A_3 = arith.constant 0 : index
    %get3A_4 = vector.load %arg3[%get3A_2, %get3A_3] : memref<1024x1024xf32, #tpu.memory_space<vmem>>, vector<1024x1024xf32>
    %dot_general3A = arith.constant dense<0.000000e+00> : vector<1024x1024xf32>
    %dot_general3A_5 = tpu.matmul %get3A_1, %get3A_4, %dot_general3A {dimension_numbers = #tpu.dot_dimension_numbers<[1], [0], [0], [1], [0, 0, 1, 1], [], []>, transpose_lhs_hint = false} : vector<1024x1024xf32>, vector<1024x1024xf32>, vector<1024x1024xf32> -> vector<1024x1024xf32>
    %get3A_6 = arith.constant 0 : index
    %get3A_7 = vector.load %arg4[%get3A_6] : memref<1024xf32, #tpu.memory_space<vmem>>, vector<1024xf32>
    %broadcast_in_dim3A = vector.shape_cast %get3A_7 : vector<1024xf32> to vector<1x1024xf32>
    %add3A = vector.broadcast %broadcast_in_dim3A : vector<1x1024xf32> to vector<1024x1024xf32>
    %add3A_8 = arith.addf %dot_general3A_5, %add3A : vector<1024x1024xf32>
    %integer_pow3A = arith.mulf %add3A_8, %add3A_8 : vector<1024x1024xf32>
    %integer_pow3A_9 = arith.mulf %add3A_8, %integer_pow3A : vector<1024x1024xf32>
    %mul3A = arith.constant 4.471500e-02 : f32
    %mul3A_10 = vector.broadcast %mul3A : f32 to vector<1024x1024xf32>
    %mul3A_11 = arith.mulf %mul3A_10, %integer_pow3A_9 : vector<1024x1024xf32>
    %add3A_12 = arith.addf %add3A_8, %mul3A_11 : vector<1024x1024xf32>
    %mul3A_13 = arith.constant 0.797884583 : f32
    %mul3A_14 = vector.broadcast %mul3A_13 : f32 to vector<1024x1024xf32>
    %mul3A_15 = arith.mulf %mul3A_14, %add3A_12 : vector<1024x1024xf32>
    %tanh3A = math.tanh %mul3A_15 : vector<1024x1024xf32>
    %add3A_16 = arith.constant 1.000000e+00 : f32
    %add3A_17 = vector.broadcast %add3A_16 : f32 to vector<1024x1024xf32>
    %add3A_18 = arith.addf %add3A_17, %tanh3A : vector<1024x1024xf32>
    %mul3A_19 = arith.constant 5.000000e-01 : f32
    %mul3A_20 = vector.broadcast %mul3A_19 : f32 to vector<1024x1024xf32>
    %mul3A_21 = arith.mulf %mul3A_20, %add3A_18 : vector<1024x1024xf32>
    %mul3A_22 = arith.mulf %add3A_8, %mul3A_21 : vector<1024x1024xf32>
    %get3A_23 = arith.constant 0 : index
    %get3A_24 = vector.load %arg2[%get3A_23] : memref<1024xf32, #tpu.memory_space<vmem>>, vector<1024xf32>
    %broadcast_in_dim3A_25 = vector.shape_cast %get3A_24 : vector<1024xf32> to vector<1x1024xf32>
    %mul3A_26 = vector.broadcast %broadcast_in_dim3A_25 : vector<1x1024xf32> to vector<1024x1024xf32>
    %mul3A_27 = arith.mulf %mul3A_22, %mul3A_26 : vector<1024x1024xf32>
    %swap3A = arith.constant 0 : index
    %swap3A_28 = arith.constant 0 : index
    %swap3A_29 = vector.load %arg7[%swap3A, %swap3A_28] : memref<1024x1024xf32, #tpu.memory_space<vmem>>, vector<1024x1024xf32>
    tpu.vector_store %arg7[%swap3A, %swap3A_28], %mul3A_27 {strides = array<i32>} : memref<1024x1024xf32, #tpu.memory_space<vmem>>, vector<1024x1024xf32>,
    %get3A_30 = arith.constant 0 : index
    %get3A_31 = arith.constant 0 : index
    %get3A_32 = vector.load %arg5[%get3A_30, %get3A_31] : memref<1024x8xf32, #tpu.memory_space<vmem>>, vector<1024x8xf32>
    %dot_general3A_33 = arith.constant dense<0.000000e+00> : vector<1024x8xf32>
    %dot_general3A_34 = tpu.matmul %mul3A_27, %get3A_32, %dot_general3A_33 {dimension_numbers = #tpu.dot_dimension_numbers<[1], [0], [0], [1], [0, 0, 1, 1], [], []>, transpose_lhs_hint = false} : vector<1024x1024xf32>, vector<1024x8xf32>, vector<1024x8xf32> -> vector<1024x8xf32>
    %get3A_35 = arith.constant 0 : index
    %get3A_36 = vector.load %arg6[%get3A_35] : memref<8xf32, #tpu.memory_space<vmem>>, vector<8xf32>
    %broadcast_in_dim3A_37 = vector.shape_cast %get3A_36 : vector<8xf32> to vector<1x8xf32>
    %add3A_38 = vector.broadcast %broadcast_in_dim3A_37 : vector<1x8xf32> to vector<1024x8xf32>
    %add3A_39 = arith.addf %dot_general3A_34, %add3A_38 : vector<1024x8xf32>
    %reduce_max3A = arith.constant dense<0xFF800000> : vector<1024xf32>
    %reduce_max3A_40 = vector.multi_reduction <maximumf>, %add3A_39, %reduce_max3A [1] : vector<1024x8xf32> to vector<1024xf32>
    %broadcast_in_dim3A_41 = vector.shape_cast %reduce_max3A_40 : vector<1024xf32> to vector<1024x1xf32>
    %sub3A = vector.broadcast %broadcast_in_dim3A_41 : vector<1024x1xf32> to vector<1024x8xf32>
    %sub3A_42 = arith.subf %add3A_39, %sub3A : vector<1024x8xf32>
    %exp3A = math.exp %sub3A_42 : vector<1024x8xf32>
    %reduce_sum3A = arith.constant dense<0.000000e+00> : vector<1024xf32>
    %reduce_sum3A_43 = vector.multi_reduction <add>, %exp3A, %reduce_sum3A [1] : vector<1024x8xf32> to vector<1024xf32>
    %broadcast_in_dim3A_44 = vector.shape_cast %reduce_sum3A_43 : vector<1024xf32> to vector<1024x1xf32>
    %div3A = vector.broadcast %broadcast_in_dim3A_44 : vector<1024x1xf32> to vector<1024x8xf32>
    %div3A_45 = arith.divf %exp3A, %div3A : vector<1024x8xf32>
    %iota3A = tpu.iota {dimensions = array<i32: 1>} : vector<1024x8xi32>
    %reduce_max3A_46 = arith.constant dense<0xFF800000> : vector<1024xf32>
    %reduce_max3A_47 = vector.multi_reduction <maximumf>, %div3A_45, %reduce_max3A_46 [1] : vector<1024x8xf32> to vector<1024xf32>
    %broadcast_in_dim3A_48 = vector.shape_cast %reduce_max3A_47 : vector<1024xf32> to vector<1024x1xf32>
    %eq3A = vector.broadcast %broadcast_in_dim3A_48 : vector<1024x1xf32> to vector<1024x8xf32>
    %eq3A_49 = arith.cmpf oeq, %div3A_45, %eq3A : vector<1024x8xf32>
    %jit3A = arith.constant 8 : i32
    %broadcast_in_dim3A_50 = vector.broadcast %jit3A : i32 to vector<1024x8xi32>
    %select_n3A = arith.select %eq3A_49, %iota3A, %broadcast_in_dim3A_50 : vector<1024x8xi1>, vector<1024x8xi32>
    %reduce_min3A = arith.constant dense<2147483647> : vector<1024xi32>
    %reduce_min3A_51 = vector.multi_reduction <minsi>, %select_n3A, %reduce_min3A [1] : vector<1024x8xi32> to vector<1024xi32>
    %broadcast_in_dim3A_52 = vector.shape_cast %reduce_min3A_51 : vector<1024xi32> to vector<1024x1xi32>
    %eq3A_53 = vector.broadcast %broadcast_in_dim3A_52 : vector<1024x1xi32> to vector<1024x8xi32>
    %eq3A_54 = arith.cmpi eq, %iota3A, %eq3A_53 : vector<1024x8xi32>
    %jit3A_55 = arith.constant -1.000000e+00 : f32
    %broadcast_in_dim3A_56 = vector.broadcast %jit3A_55 : f32 to vector<1024x8xf32>
    %select_n3A_57 = arith.select %eq3A_54, %broadcast_in_dim3A_56, %div3A_45 : vector<1024x8xi1>, vector<1024x8xf32>
    %reduce_max3A_58 = arith.constant dense<0xFF800000> : vector<1024xf32>
    %reduce_max3A_59 = vector.multi_reduction <maximumf>, %select_n3A_57, %reduce_max3A_58 [1] : vector<1024x8xf32> to vector<1024xf32>
    %broadcast_in_dim3A_60 = vector.shape_cast %reduce_max3A_59 : vector<1024xf32> to vector<1024x1xf32>
    %eq3A_61 = vector.broadcast %broadcast_in_dim3A_60 : vector<1024x1xf32> to vector<1024x8xf32>
    %eq3A_62 = arith.cmpf oeq, %select_n3A_57, %eq3A_61 : vector<1024x8xf32>
    %jit3A_63 = arith.constant 8 : i32
    %broadcast_in_dim3A_64 = vector.broadcast %jit3A_63 : i32 to vector<1024x8xi32>
    %select_n3A_65 = arith.select %eq3A_62, %iota3A, %broadcast_in_dim3A_64 : vector<1024x8xi1>, vector<1024x8xi32>
    %reduce_min3A_66 = arith.constant dense<2147483647> : vector<1024xi32>
    %reduce_min3A_67 = vector.multi_reduction <minsi>, %select_n3A_65, %reduce_min3A_66 [1] : vector<1024x8xi32> to vector<1024xi32>
    %broadcast_in_dim3A_68 = vector.shape_cast %reduce_min3A_67 : vector<1024xi32> to vector<1024x1xi32>
    %add3A_69 = arith.addf %broadcast_in_dim3A_48, %broadcast_in_dim3A_60 : vector<1024x1xf32>
    %div3A_70 = arith.divf %broadcast_in_dim3A_48, %add3A_69 : vector<1024x1xf32>
    %div3A_71 = arith.divf %broadcast_in_dim3A_60, %add3A_69 : vector<1024x1xf32>
    %eq3A_72 = vector.broadcast %broadcast_in_dim3A_52 : vector<1024x1xi32> to vector<1024x8xi32>
    %eq3A_73 = arith.cmpi eq, %iota3A, %eq3A_72 : vector<1024x8xi32>
    %jit3A_74 = arith.constant 0.000000e+00 : f32
    %broadcast_in_dim3A_75 = vector.shape_cast %div3A_70 : vector<1024x1xf32> to vector<1024x1xf32>
    %broadcast_in_dim3A_76 = vector.broadcast %broadcast_in_dim3A_75 : vector<1024x1xf32> to vector<1024x8xf32>
    %broadcast_in_dim3A_77 = vector.broadcast %jit3A_74 : f32 to vector<1024x8xf32>
    %select_n3A_78 = arith.select %eq3A_73, %broadcast_in_dim3A_76, %broadcast_in_dim3A_77 : vector<1024x8xi1>, vector<1024x8xf32>
    %eq3A_79 = vector.broadcast %broadcast_in_dim3A_68 : vector<1024x1xi32> to vector<1024x8xi32>
    %eq3A_80 = arith.cmpi eq, %iota3A, %eq3A_79 : vector<1024x8xi32>
    %jit3A_81 = arith.constant 0.000000e+00 : f32
    %broadcast_in_dim3A_82 = vector.shape_cast %div3A_71 : vector<1024x1xf32> to vector<1024x1xf32>
    %broadcast_in_dim3A_83 = vector.broadcast %broadcast_in_dim3A_82 : vector<1024x1xf32> to vector<1024x8xf32>
    %broadcast_in_dim3A_84 = vector.broadcast %jit3A_81 : f32 to vector<1024x8xf32>
    %select_n3A_85 = arith.select %eq3A_80, %broadcast_in_dim3A_83, %broadcast_in_dim3A_84 : vector<1024x8xi1>, vector<1024x8xf32>
    %add3A_86 = arith.addf %select_n3A_78, %select_n3A_85 : vector<1024x8xf32>
    %swap3A_87 = arith.constant 0 : index
    %swap3A_88 = arith.constant 0 : index
    %swap3A_89 = vector.load %arg8[%swap3A_87, %swap3A_88] : memref<1024x8xf32, #tpu.memory_space<vmem>>, vector<1024x8xf32>
    tpu.vector_store %arg8[%swap3A_87, %swap3A_88], %add3A_86 {strides = array<i32>} : memref<1024x8xf32, #tpu.memory_space<vmem>>, vector<1024x8xf32>,
    %swap3A_90 = arith.constant 0 : index
    %swap3A_91 = arith.constant 0 : index
    %swap3A_92 = vector.load %arg9[%swap3A_90, %swap3A_91] : memref<1024x1xi32, #tpu.memory_space<vmem>>, vector<1024x1xi32>
    tpu.vector_store %arg9[%swap3A_90, %swap3A_91], %broadcast_in_dim3A_52 {strides = array<i32>} : memref<1024x1xi32, #tpu.memory_space<vmem>>, vector<1024x1xi32>,
    %swap3A_93 = arith.constant 0 : index
    %swap3A_94 = arith.constant 0 : index
    %swap3A_95 = vector.load %arg10[%swap3A_93, %swap3A_94] : memref<1024x1xi32, #tpu.memory_space<vmem>>, vector<1024x1xi32>
    tpu.vector_store %arg10[%swap3A_93, %swap3A_94], %broadcast_in_dim3A_68 {strides = array<i32>} : memref<1024x1xi32, #tpu.memory_space<vmem>>, vector<1024x1xi32>,
    %swap3A_96 = arith.constant 0 : index
    %swap3A_97 = arith.constant 0 : index
    %swap3A_98 = vector.load %arg11[%swap3A_96, %swap3A_97] : memref<1024x1xf32, #tpu.memory_space<vmem>>, vector<1024x1xf32>
    tpu.vector_store %arg11[%swap3A_96, %swap3A_97], %div3A_70 {strides = array<i32>} : memref<1024x1xf32, #tpu.memory_space<vmem>>, vector<1024x1xf32>,
    %swap3A_99 = arith.constant 0 : index
    %swap3A_100 = arith.constant 0 : index
    %swap3A_101 = vector.load %arg12[%swap3A_99, %swap3A_100] : memref<1024x1xf32, #tpu.memory_space<vmem>>, vector<1024x1xf32>
    tpu.vector_store %arg12[%swap3A_99, %swap3A_100], %div3A_71 {strides = array<i32>} : memref<1024x1xf32, #tpu.memory_space<vmem>>, vector<1024x1xf32>,
    return
  }
  func.func @transform_0(%arg0: i32) -> (i32, i32) {
    %c0_i32 = arith.constant 0 : i32
    %c0_i32_0 = arith.constant 0 : i32
    return %arg0, %c0_i32 : i32, i32
  }
  func.func @transform_1(%arg0: i32) -> i32 {
    %c0_i32 = arith.constant 0 : i32
    %c0_i32_0 = arith.constant 0 : i32
    return %c0_i32 : i32
  }
  func.func @transform_2(%arg0: i32) -> (i32, i32) {
    %c0_i32 = arith.constant 0 : i32
    %c0_i32_0 = arith.constant 0 : i32
    %c0_i32_1 = arith.constant 0 : i32
    return %c0_i32, %c0_i32_0 : i32, i32
  }
  func.func @transform_3(%arg0: i32) -> i32 {
    %c0_i32 = arith.constant 0 : i32
    %c0_i32_0 = arith.constant 0 : i32
    return %c0_i32 : i32
  }
  func.func @transform_4(%arg0: i32) -> (i32, i32) {
    %c0_i32 = arith.constant 0 : i32
    %c0_i32_0 = arith.constant 0 : i32
    %c0_i32_1 = arith.constant 0 : i32
    return %c0_i32, %c0_i32_0 : i32, i32
  }
  func.func @transform_5(%arg0: i32) -> i32 {
    %c0_i32 = arith.constant 0 : i32
    %c0_i32_0 = arith.constant 0 : i32
    return %c0_i32 : i32
  }
  func.func @transform_6(%arg0: i32) -> (i32, i32) {
    %c0_i32 = arith.constant 0 : i32
    %c0_i32_0 = arith.constant 0 : i32
    return %arg0, %c0_i32 : i32, i32
  }
  func.func @transform_7(%arg0: i32) -> (i32, i32) {
    %c0_i32 = arith.constant 0 : i32
    %c0_i32_0 = arith.constant 0 : i32
    return %arg0, %c0_i32 : i32, i32
  }
  func.func @transform_8(%arg0: i32) -> (i32, i32) {
    %c0_i32 = arith.constant 0 : i32
    %c0_i32_0 = arith.constant 0 : i32
    return %arg0, %c0_i32 : i32, i32
  }
  func.func @transform_9(%arg0: i32) -> (i32, i32) {
    %c0_i32 = arith.constant 0 : i32
    %c0_i32_0 = arith.constant 0 : i32
    return %arg0, %c0_i32 : i32, i32
  }
  func.func @transform_10(%arg0: i32) -> (i32, i32) {
    %c0_i32 = arith.constant 0 : i32
    %c0_i32_0 = arith.constant 0 : i32
    return %arg0, %c0_i32 : i32, i32
  }
  func.func @transform_11(%arg0: i32) -> (i32, i32) {
    %c0_i32 = arith.constant 0 : i32
    %c0_i32_0 = arith.constant 0 : i32
    return %arg0, %c0_i32 : i32, i32
  }
}

module attributes {stable_mosaic.version = 14 : i64} {
  func.func @_expert_body(%arg0: i32, %arg1: memref<16xi32, #tpu.memory_space<smem>>, %arg2: memref<512x1024xf32, #tpu.memory_space<vmem>>, %arg3: memref<1x1024x1024xf32, #tpu.memory_space<vmem>>, %arg4: memref<1x1x1024xf32, #tpu.memory_space<vmem>>, %arg5: memref<512x1024xf32, #tpu.memory_space<vmem>>) attributes {dimension_semantics = [#tpu.dimension_semantics<arbitrary>], iteration_bounds = array<i64: 16>, scalar_prefetch = 1 : i64, scratch_operands = 0 : i64, tpu.core_type = #tpu.core_type<tc>, window_params = [{transform_indices = @transform_0, window_bounds = array<i64: 512, 1024>}, {transform_indices = @transform_1, window_bounds = array<i64: 1, 1024, 1024>}, {transform_indices = @transform_2, window_bounds = array<i64: 1, 1, 1024>}, {transform_indices = @transform_3, window_bounds = array<i64: 512, 1024>}]} {
    %get3A = arith.constant 0 : index
    %get3A_0 = arith.constant 0 : index
    %get3A_1 = vector.load %arg2[%get3A, %get3A_0] : memref<512x1024xf32, #tpu.memory_space<vmem>>, vector<512x1024xf32>
    %get3A_2 = arith.constant 0 : index
    %get3A_3 = arith.constant 0 : index
    %get3A_4 = arith.constant 0 : index
    %get3A_5 = vector.load %arg3[%get3A_2, %get3A_3, %get3A_4] : memref<1x1024x1024xf32, #tpu.memory_space<vmem>>, vector<1x1024x1024xf32>
    %get3A_6 = vector.shape_cast %get3A_5 : vector<1x1024x1024xf32> to vector<1024x1024xf32>
    %dot_general3A = arith.constant dense<0.000000e+00> : vector<512x1024xf32>
    %dot_general3A_7 = tpu.matmul %get3A_1, %get3A_6, %dot_general3A {dimension_numbers = #tpu.dot_dimension_numbers<[1], [0], [0], [1], [0, 0, 1, 1], [], []>, transpose_lhs_hint = false} : vector<512x1024xf32>, vector<1024x1024xf32>, vector<512x1024xf32> -> vector<512x1024xf32>
    %get3A_8 = arith.constant 0 : index
    %get3A_9 = arith.constant 0 : index
    %get3A_10 = arith.constant 0 : index
    %get3A_11 = vector.load %arg4[%get3A_8, %get3A_9, %get3A_10] : memref<1x1x1024xf32, #tpu.memory_space<vmem>>, vector<1x1x1024xf32>
    %get3A_12 = vector.shape_cast %get3A_11 : vector<1x1x1024xf32> to vector<1024xf32>
    %broadcast_in_dim3A = vector.shape_cast %get3A_12 : vector<1024xf32> to vector<1x1024xf32>
    %add3A = vector.broadcast %broadcast_in_dim3A : vector<1x1024xf32> to vector<512x1024xf32>
    %add3A_13 = arith.addf %dot_general3A_7, %add3A : vector<512x1024xf32>
    %integer_pow3A = arith.mulf %add3A_13, %add3A_13 : vector<512x1024xf32>
    %integer_pow3A_14 = arith.mulf %add3A_13, %integer_pow3A : vector<512x1024xf32>
    %mul3A = arith.constant 4.471500e-02 : f32
    %mul3A_15 = vector.broadcast %mul3A : f32 to vector<512x1024xf32>
    %mul3A_16 = arith.mulf %mul3A_15, %integer_pow3A_14 : vector<512x1024xf32>
    %add3A_17 = arith.addf %add3A_13, %mul3A_16 : vector<512x1024xf32>
    %mul3A_18 = arith.constant 0.797884583 : f32
    %mul3A_19 = vector.broadcast %mul3A_18 : f32 to vector<512x1024xf32>
    %mul3A_20 = arith.mulf %mul3A_19, %add3A_17 : vector<512x1024xf32>
    %tanh3A = math.tanh %mul3A_20 : vector<512x1024xf32>
    %add3A_21 = arith.constant 1.000000e+00 : f32
    %add3A_22 = vector.broadcast %add3A_21 : f32 to vector<512x1024xf32>
    %add3A_23 = arith.addf %add3A_22, %tanh3A : vector<512x1024xf32>
    %mul3A_24 = arith.constant 5.000000e-01 : f32
    %mul3A_25 = vector.broadcast %mul3A_24 : f32 to vector<512x1024xf32>
    %mul3A_26 = arith.mulf %mul3A_25, %add3A_23 : vector<512x1024xf32>
    %mul3A_27 = arith.mulf %add3A_13, %mul3A_26 : vector<512x1024xf32>
    %swap3A = arith.constant 0 : index
    %swap3A_28 = arith.constant 0 : index
    %swap3A_29 = vector.load %arg5[%swap3A, %swap3A_28] : memref<512x1024xf32, #tpu.memory_space<vmem>>, vector<512x1024xf32>
    tpu.vector_store %arg5[%swap3A, %swap3A_28], %mul3A_27 {strides = array<i32>} : memref<512x1024xf32, #tpu.memory_space<vmem>>, vector<512x1024xf32>,
    return
  }
  func.func @transform_0(%arg0: i32, %arg1: memref<16xi32, #tpu.memory_space<smem>>) -> (i32, i32) {
    %c0_i32 = arith.constant 0 : i32
    %c0_i32_0 = arith.constant 0 : i32
    return %arg0, %c0_i32 : i32, i32
  }
  func.func @transform_1(%arg0: i32, %arg1: memref<16xi32, #tpu.memory_space<smem>>) -> (i32, i32, i32) {
    %get3A = arith.index_cast %arg0 : i32 to index
    %get3A_0 = memref.load %arg1[%get3A] : memref<16xi32, #tpu.memory_space<smem>>
    %c0_i32 = arith.constant 0 : i32
    %c0_i32_1 = arith.constant 0 : i32
    %c0_i32_2 = arith.constant 0 : i32
    return %get3A_0, %c0_i32, %c0_i32_1 : i32, i32, i32
  }
  func.func @transform_2(%arg0: i32, %arg1: memref<16xi32, #tpu.memory_space<smem>>) -> (i32, i32, i32) {
    %get3A = arith.index_cast %arg0 : i32 to index
    %get3A_0 = memref.load %arg1[%get3A] : memref<16xi32, #tpu.memory_space<smem>>
    %c0_i32 = arith.constant 0 : i32
    %c0_i32_1 = arith.constant 0 : i32
    %c0_i32_2 = arith.constant 0 : i32
    return %get3A_0, %c0_i32, %c0_i32_1 : i32, i32, i32
  }
  func.func @transform_3(%arg0: i32, %arg1: memref<16xi32, #tpu.memory_space<smem>>) -> (i32, i32) {
    %c0_i32 = arith.constant 0 : i32
    %c0_i32_0 = arith.constant 0 : i32
    return %arg0, %c0_i32 : i32, i32
  }
}

module attributes {stable_mosaic.version = 14 : i64} {
  func.func @_tail_body(%arg0: i32, %arg1: memref<1024x1024xf32, #tpu.memory_space<vmem>>, %arg2: memref<1024x1024xf32, #tpu.memory_space<vmem>>, %arg3: memref<1024x1xf32, #tpu.memory_space<vmem>>, %arg4: memref<1024x1xf32, #tpu.memory_space<vmem>>, %arg5: memref<1024x16xf32, #tpu.memory_space<vmem>>, %arg6: memref<16xf32, #tpu.memory_space<vmem>>, %arg7: memref<16x32xf32, #tpu.memory_space<vmem>>, %arg8: memref<512x32xf32, #tpu.memory_space<vmem>>, %arg9: memref<512x16xf32, #tpu.memory_space<vmem>>, %arg10: memref<16x1024xf32, #tpu.memory_space<vmem>>, %arg11: memref<1024xf32, #tpu.memory_space<vmem>>, %arg12: memref<1024x1024xf32, #tpu.memory_space<vmem>>, %arg13: memref<1024xf32, #tpu.memory_space<vmem>>, %arg14: memref<1024x1024xf32, #tpu.memory_space<vmem>>, %arg15: memref<1024x1024xf32, #tpu.memory_space<vmem>>) attributes {dimension_semantics = [#tpu.dimension_semantics<arbitrary>], iteration_bounds = array<i64: 2>, scalar_prefetch = 0 : i64, scratch_operands = 0 : i64, tpu.core_type = #tpu.core_type<tc>, window_params = [{transform_indices = @transform_0, window_bounds = array<i64: 1024, 1024>}, {transform_indices = @transform_1, window_bounds = array<i64: 1024, 1024>}, {transform_indices = @transform_2, window_bounds = array<i64: 1024, 1>}, {transform_indices = @transform_3, window_bounds = array<i64: 1024, 1>}, {pipeline_mode = #tpu.pipeline_mode<synchronous>, transform_indices = @transform_4, window_bounds = array<i64: 1024, 16>}, {pipeline_mode = #tpu.pipeline_mode<synchronous>, transform_indices = @transform_5, window_bounds = array<i64: 16>}, {pipeline_mode = #tpu.pipeline_mode<synchronous>, transform_indices = @transform_6, window_bounds = array<i64: 16, 32>}, {pipeline_mode = #tpu.pipeline_mode<synchronous>, transform_indices = @transform_7, window_bounds = array<i64: 512, 32>}, {pipeline_mode = #tpu.pipeline_mode<synchronous>, transform_indices = @transform_8, window_bounds = array<i64: 512, 16>}, {pipeline_mode = #tpu.pipeline_mode<synchronous>, transform_indices = @transform_9, window_bounds = array<i64: 16, 1024>}, {pipeline_mode = #tpu.pipeline_mode<synchronous>, transform_indices = @transform_10, window_bounds = array<i64: 1024>}, {pipeline_mode = #tpu.pipeline_mode<synchronous>, transform_indices = @transform_11, window_bounds = array<i64: 1024, 1024>}, {pipeline_mode = #tpu.pipeline_mode<synchronous>, transform_indices = @transform_12, window_bounds = array<i64: 1024>}, {transform_indices = @transform_13, window_bounds = array<i64: 1024, 1024>}, {transform_indices = @transform_14, window_bounds = array<i64: 1024, 1024>}]} {
    %get3A = arith.constant 0 : index
    %get3A_0 = arith.constant 0 : index
    %get3A_1 = vector.load %arg3[%get3A, %get3A_0] : memref<1024x1xf32, #tpu.memory_space<vmem>>, vector<1024x1xf32>
    %get3A_2 = arith.constant 0 : index
    %get3A_3 = arith.constant 0 : index
    %get3A_4 = vector.load %arg1[%get3A_2, %get3A_3] : memref<1024x1024xf32, #tpu.memory_space<vmem>>, vector<1024x1024xf32>
    %mul3A = vector.broadcast %get3A_1 : vector<1024x1xf32> to vector<1024x1024xf32>
    %mul3A_5 = arith.mulf %mul3A, %get3A_4 : vector<1024x1024xf32>
    %get3A_6 = arith.constant 0 : index
    %get3A_7 = arith.constant 0 : index
    %get3A_8 = vector.load %arg4[%get3A_6, %get3A_7] : memref<1024x1xf32, #tpu.memory_space<vmem>>, vector<1024x1xf32>
    %get3A_9 = arith.constant 0 : index
    %get3A_10 = arith.constant 0 : index
    %get3A_11 = vector.load %arg2[%get3A_9, %get3A_10] : memref<1024x1024xf32, #tpu.memory_space<vmem>>, vector<1024x1024xf32>
    %mul3A_12 = vector.broadcast %get3A_8 : vector<1024x1xf32> to vector<1024x1024xf32>
    %mul3A_13 = arith.mulf %mul3A_12, %get3A_11 : vector<1024x1024xf32>
    %add3A = arith.addf %mul3A_5, %mul3A_13 : vector<1024x1024xf32>
    %get3A_14 = arith.constant 0 : index
    %get3A_15 = arith.constant 0 : index
    %get3A_16 = vector.load %arg5[%get3A_14, %get3A_15] : memref<1024x16xf32, #tpu.memory_space<vmem>>, vector<1024x16xf32>
    %dot_general3A = arith.constant dense<0.000000e+00> : vector<1024x16xf32>
    %dot_general3A_17 = tpu.matmul %add3A, %get3A_16, %dot_general3A {dimension_numbers = #tpu.dot_dimension_numbers<[1], [0], [0], [1], [0, 0, 1, 1], [], []>, transpose_lhs_hint = false} : vector<1024x1024xf32>, vector<1024x16xf32>, vector<1024x16xf32> -> vector<1024x16xf32>
    %get3A_18 = arith.constant 0 : index
    %get3A_19 = vector.load %arg6[%get3A_18] : memref<16xf32, #tpu.memory_space<vmem>>, vector<16xf32>
    %broadcast_in_dim3A = vector.shape_cast %get3A_19 : vector<16xf32> to vector<1x16xf32>
    %add3A_20 = vector.broadcast %broadcast_in_dim3A : vector<1x16xf32> to vector<1024x16xf32>
    %add3A_21 = arith.addf %dot_general3A_17, %add3A_20 : vector<1024x16xf32>
    %get3A_22 = arith.constant 0 : index
    %get3A_23 = arith.constant 0 : index
    %get3A_24 = vector.load %arg7[%get3A_22, %get3A_23] : memref<16x32xf32, #tpu.memory_space<vmem>>, vector<16x32xf32>
    %dot_general3A_25 = arith.constant dense<0.000000e+00> : vector<1024x32xf32>
    %dot_general3A_26 = tpu.matmul %add3A_21, %get3A_24, %dot_general3A_25 {dimension_numbers = #tpu.dot_dimension_numbers<[1], [0], [0], [1], [0, 0, 1, 1], [], []>, transpose_lhs_hint = false} : vector<1024x16xf32>, vector<16x32xf32>, vector<1024x32xf32> -> vector<1024x32xf32>
    %get3A_27 = arith.constant 0 : index
    %get3A_28 = arith.constant 0 : index
    %get3A_29 = vector.load %arg8[%get3A_27, %get3A_28] : memref<512x32xf32, #tpu.memory_space<vmem>>, vector<512x32xf32>
    %dot_general3A_30 = arith.constant dense<0.000000e+00> : vector<1024x512xf32>
    %dot_general3A_31 = tpu.matmul %dot_general3A_26, %get3A_29, %dot_general3A_30 {dimension_numbers = #tpu.dot_dimension_numbers<[1], [1], [0], [0], [0, 0, 1, 0], [], []>, transpose_lhs_hint = false} : vector<1024x32xf32>, vector<512x32xf32>, vector<1024x512xf32> -> vector<1024x512xf32>
    %sqrt3A = arith.constant 3.200000e+01 : f32
    %sqrt3A_32 = math.sqrt %sqrt3A : f32
    %div3A = arith.constant 1.000000e+00 : f32
    %div3A_33 = arith.divf %div3A, %sqrt3A_32 : f32
    %mul3A_34 = vector.broadcast %div3A_33 : f32 to vector<1024x512xf32>
    %mul3A_35 = arith.mulf %dot_general3A_31, %mul3A_34 : vector<1024x512xf32>
    %reduce_max3A = arith.constant dense<0xFF800000> : vector<1024xf32>
    %reduce_max3A_36 = vector.multi_reduction <maximumf>, %mul3A_35, %reduce_max3A [1] : vector<1024x512xf32> to vector<1024xf32>
    %broadcast_in_dim3A_37 = vector.shape_cast %reduce_max3A_36 : vector<1024xf32> to vector<1024x1xf32>
    %sub3A = vector.broadcast %broadcast_in_dim3A_37 : vector<1024x1xf32> to vector<1024x512xf32>
    %sub3A_38 = arith.subf %mul3A_35, %sub3A : vector<1024x512xf32>
    %exp3A = math.exp %sub3A_38 : vector<1024x512xf32>
    %reduce_sum3A = arith.constant dense<0.000000e+00> : vector<1024xf32>
    %reduce_sum3A_39 = vector.multi_reduction <add>, %exp3A, %reduce_sum3A [1] : vector<1024x512xf32> to vector<1024xf32>
    %broadcast_in_dim3A_40 = vector.shape_cast %reduce_sum3A_39 : vector<1024xf32> to vector<1024x1xf32>
    %div3A_41 = vector.broadcast %broadcast_in_dim3A_40 : vector<1024x1xf32> to vector<1024x512xf32>
    %div3A_42 = arith.divf %exp3A, %div3A_41 : vector<1024x512xf32>
    %get3A_43 = arith.constant 0 : index
    %get3A_44 = arith.constant 0 : index
    %get3A_45 = vector.load %arg9[%get3A_43, %get3A_44] : memref<512x16xf32, #tpu.memory_space<vmem>>, vector<512x16xf32>
    %dot_general3A_46 = arith.constant dense<0.000000e+00> : vector<1024x16xf32>
    %dot_general3A_47 = tpu.matmul %div3A_42, %get3A_45, %dot_general3A_46 {dimension_numbers = #tpu.dot_dimension_numbers<[1], [0], [0], [1], [0, 0, 1, 1], [], []>, transpose_lhs_hint = false} : vector<1024x512xf32>, vector<512x16xf32>, vector<1024x16xf32> -> vector<1024x16xf32>
    %add3A_48 = arith.addf %add3A_21, %dot_general3A_47 : vector<1024x16xf32>
    %get3A_49 = arith.constant 0 : index
    %get3A_50 = arith.constant 0 : index
    %get3A_51 = vector.load %arg10[%get3A_49, %get3A_50] : memref<16x1024xf32, #tpu.memory_space<vmem>>, vector<16x1024xf32>
    %dot_general3A_52 = arith.constant dense<0.000000e+00> : vector<1024x1024xf32>
    %dot_general3A_53 = tpu.matmul %add3A_48, %get3A_51, %dot_general3A_52 {dimension_numbers = #tpu.dot_dimension_numbers<[1], [0], [0], [1], [0, 0, 1, 1], [], []>, transpose_lhs_hint = false} : vector<1024x16xf32>, vector<16x1024xf32>, vector<1024x1024xf32> -> vector<1024x1024xf32>
    %get3A_54 = arith.constant 0 : index
    %get3A_55 = vector.load %arg11[%get3A_54] : memref<1024xf32, #tpu.memory_space<vmem>>, vector<1024xf32>
    %broadcast_in_dim3A_56 = vector.shape_cast %get3A_55 : vector<1024xf32> to vector<1x1024xf32>
    %add3A_57 = vector.broadcast %broadcast_in_dim3A_56 : vector<1x1024xf32> to vector<1024x1024xf32>
    %add3A_58 = arith.addf %dot_general3A_53, %add3A_57 : vector<1024x1024xf32>
    %swap3A = arith.constant 0 : index
    %swap3A_59 = arith.constant 0 : index
    %swap3A_60 = vector.load %arg15[%swap3A, %swap3A_59] : memref<1024x1024xf32, #tpu.memory_space<vmem>>, vector<1024x1024xf32>
    tpu.vector_store %arg15[%swap3A, %swap3A_59], %add3A_58 {strides = array<i32>} : memref<1024x1024xf32, #tpu.memory_space<vmem>>, vector<1024x1024xf32>,
    %get3A_61 = arith.constant 0 : index
    %get3A_62 = arith.constant 0 : index
    %get3A_63 = vector.load %arg12[%get3A_61, %get3A_62] : memref<1024x1024xf32, #tpu.memory_space<vmem>>, vector<1024x1024xf32>
    %dot_general3A_64 = arith.constant dense<0.000000e+00> : vector<1024x1024xf32>
    %dot_general3A_65 = tpu.matmul %add3A, %get3A_63, %dot_general3A_64 {dimension_numbers = #tpu.dot_dimension_numbers<[1], [0], [0], [1], [0, 0, 1, 1], [], []>, transpose_lhs_hint = false} : vector<1024x1024xf32>, vector<1024x1024xf32>, vector<1024x1024xf32> -> vector<1024x1024xf32>
    %get3A_66 = arith.constant 0 : index
    %get3A_67 = vector.load %arg13[%get3A_66] : memref<1024xf32, #tpu.memory_space<vmem>>, vector<1024xf32>
    %broadcast_in_dim3A_68 = vector.shape_cast %get3A_67 : vector<1024xf32> to vector<1x1024xf32>
    %add3A_69 = vector.broadcast %broadcast_in_dim3A_68 : vector<1x1024xf32> to vector<1024x1024xf32>
    %add3A_70 = arith.addf %dot_general3A_65, %add3A_69 : vector<1024x1024xf32>
    %swap3A_71 = arith.constant 0 : index
    %swap3A_72 = arith.constant 0 : index
    %swap3A_73 = vector.load %arg14[%swap3A_71, %swap3A_72] : memref<1024x1024xf32, #tpu.memory_space<vmem>>, vector<1024x1024xf32>
    tpu.vector_store %arg14[%swap3A_71, %swap3A_72], %add3A_70 {strides = array<i32>} : memref<1024x1024xf32, #tpu.memory_space<vmem>>, vector<1024x1024xf32>,
    return
  }
  func.func @transform_0(%arg0: i32) -> (i32, i32) {
    %c0_i32 = arith.constant 0 : i32
    %c0_i32_0 = arith.constant 0 : i32
    return %arg0, %c0_i32 : i32, i32
  }
  func.func @transform_1(%arg0: i32) -> (i32, i32) {
    %add3A = arith.constant 2 : i32
    %add3A_0 = arith.addi %arg0, %add3A : i32
    %c0_i32 = arith.constant 0 : i32
    %c0_i32_1 = arith.constant 0 : i32
    return %add3A_0, %c0_i32 : i32, i32
  }
  func.func @transform_2(%arg0: i32) -> (i32, i32) {
    %c0_i32 = arith.constant 0 : i32
    %c0_i32_0 = arith.constant 0 : i32
    return %arg0, %c0_i32 : i32, i32
  }
  func.func @transform_3(%arg0: i32) -> (i32, i32) {
    %c0_i32 = arith.constant 0 : i32
    %c0_i32_0 = arith.constant 0 : i32
    return %arg0, %c0_i32 : i32, i32
  }
  func.func @transform_4(%arg0: i32) -> (i32, i32) {
    %c0_i32 = arith.constant 0 : i32
    %c0_i32_0 = arith.constant 0 : i32
    %c0_i32_1 = arith.constant 0 : i32
    return %c0_i32, %c0_i32_0 : i32, i32
  }
  func.func @transform_5(%arg0: i32) -> i32 {
    %c0_i32 = arith.constant 0 : i32
    %c0_i32_0 = arith.constant 0 : i32
    return %c0_i32 : i32
  }
  func.func @transform_6(%arg0: i32) -> (i32, i32) {
    %c0_i32 = arith.constant 0 : i32
    %c0_i32_0 = arith.constant 0 : i32
    %c0_i32_1 = arith.constant 0 : i32
    return %c0_i32, %c0_i32_0 : i32, i32
  }
  func.func @transform_7(%arg0: i32) -> (i32, i32) {
    %c0_i32 = arith.constant 0 : i32
    %c0_i32_0 = arith.constant 0 : i32
    %c0_i32_1 = arith.constant 0 : i32
    return %c0_i32, %c0_i32_0 : i32, i32
  }
  func.func @transform_8(%arg0: i32) -> (i32, i32) {
    %c0_i32 = arith.constant 0 : i32
    %c0_i32_0 = arith.constant 0 : i32
    %c0_i32_1 = arith.constant 0 : i32
    return %c0_i32, %c0_i32_0 : i32, i32
  }
  func.func @transform_9(%arg0: i32) -> (i32, i32) {
    %c0_i32 = arith.constant 0 : i32
    %c0_i32_0 = arith.constant 0 : i32
    %c0_i32_1 = arith.constant 0 : i32
    return %c0_i32, %c0_i32_0 : i32, i32
  }
  func.func @transform_10(%arg0: i32) -> i32 {
    %c0_i32 = arith.constant 0 : i32
    %c0_i32_0 = arith.constant 0 : i32
    return %c0_i32 : i32
  }
  func.func @transform_11(%arg0: i32) -> (i32, i32) {
    %c0_i32 = arith.constant 0 : i32
    %c0_i32_0 = arith.constant 0 : i32
    %c0_i32_1 = arith.constant 0 : i32
    return %c0_i32, %c0_i32_0 : i32, i32
  }
  func.func @transform_12(%arg0: i32) -> i32 {
    %c0_i32 = arith.constant 0 : i32
    %c0_i32_0 = arith.constant 0 : i32
    return %c0_i32 : i32
  }
  func.func @transform_13(%arg0: i32) -> (i32, i32) {
    %c0_i32 = arith.constant 0 : i32
    %c0_i32_0 = arith.constant 0 : i32
    return %arg0, %c0_i32 : i32, i32
  }
  func.func @transform_14(%arg0: i32) -> (i32, i32) {
    %c0_i32 = arith.constant 0 : i32
    %c0_i32_0 = arith.constant 0 : i32
    return %arg0, %c0_i32 : i32, i32
  }
}

</mosaic_0001>

<sc_bundles>
// kernel: kernel.11.cloned.1.call-start
scs
__scs_entry_jumppad:
0x0: {  	(pc) =	sbr.rel $0x88, $3  }
0x1: {  	(tag) =	ssettag $0x0;
	lr =	simm.s32 $0x1  }
0x2: {  	[smem:$0x3F8F] =	sst lr;
	_ =	strace $0xD0000000  }
0x3: {  	_ = 	snop  }
0x4: {  	_ = 	snop  }
0x5: {  	_ = 	snop  }
0x6: {  	_ = 	snop  }
0x7: {  	_ = 	snop  }
__scs_overlays_trampoline_lowered:
0x8: {  	[smem:$0x3F9E] =	sst s0  }
0x9: {  	[smem:$0x3F9F] =	sst s1  }
0xa: {  	[smem:$0x3FA0] =	sst s2  }
0xb: {  	[smem:$0x3FA1] =	sst s3  }
0xc: {  	[smem:$0x3FA2] =	sst s4  }
0xd: {  	[smem:$0x3FA3] =	sst s5  }
0xe: {  	[smem:$0x3FA4] =	sst s6  }
0xf: {  	[smem:$0x3FA5] =	sst s7  }
0x10: {  	[smem:$0x3FA6] =	sst s8  }
0x11: {  	[smem:$0x3FA7] =	sst s9;
	s0 =	simm.s32 @!p0 $0x0  }
0x12: {  	s1 =	sld [smem:$0x3F8D];
	s0 =	simm.s32 @p0 $0x1  }
0x13: {  	[smem:$0x3FA8] =	sst s0;
	s0 =	simm.s32 @!p1 $0x0  }
0x14: {  	s2 =	sld [smem:$0x3F8C];
	s0 =	simm.s32 @p1 $0x1  }
0x15: {  	[smem:$0x3FA9] =	sst s0;
	s0 =	simm.s32 @!p2 $0x0  }
0x16: {  	s3 =	sld [smem:$0x3FDB];
	s0 =	simm.s32 @p2 $0x1  }
0x17: {  	s4 =	simm.s32 $0x1BF5;
	[smem:$0x3FAB] =	sst s0  }
0x18: {  	s0 =	sld [smem:$0x3F8E];
	_ =	swait.ge [sflag:s4], $0x0  }
0x19: {  	s7 =	sld [smem:$0x3F8F]  }
0x1a: {  	s8 =	sadd.s32 $0xFFFFE003, lr  }
0x1b: {  	s9 =	sadd.s32 $0xFFFFFEF7, lr;
	s5 =	simm.s32 $0xFFFFFFFF;
	p2 =	slt.u32 s8, $0xFFFFF086  }
0x1c: {  	p1 =	slt.u32 s9, $0xF7A;
	s5 =	simm.s32 @!p2 $0x0  }
0x1d: {  	s5 =	simm.s32 @p1 $0x1;
	p0 =	seq.s32 s7, s2  }
0x1e: {  	s7 =	smul.u32 @!p0 $0xF7A, s2;
	p2 =	seq.s32 @!p0 s5, $0x0  }
0x1f: {  	s9 =	smul.u32 $0xF7A, s1;
	s8 =	simm.s32 @!p0 $0x1BF5;
	p2 =	por !p2, p0  }
0x20: {  	[sflag:s8] =	ssyncset.s32 @!p0 $0xFFFFF086;
	s6 =	sadd.s32 @!p0 s3, s7;
	s7 =	simm.s32 @!p0 $0x108  }
0x21: {  	s3 =	sadd.s32 s3, s9;
	s6 =	sadd.s32 @!p0 $0x88, s6;
	s7 =	simm.s32 @p2 $0x1082  }
0x22: {  	[simem:s7], [sflag:s8] =	dma.local @!p0 [hbm:s6], $0xF7A  }
0x23: {  	s9 =	sor.u32 $0xD0000000, s2;
	s6 =	simm.s32 $0x108;
	_ =	swait.ge @!p0 [sflag:s8], $0x0  }
0x24: {  	s3 =	sadd.s32 $0x88, s3;
	s6 =	simm.s32 @!p1 $0x1082;
	[sflag:s4] =	ssyncset.s32 $0xFFFFF086  }
0x25: {  	[simem:s6], [sflag:s4] =	dma.local [hbm:s3], $0xF7A  }
0x26: {  	[smem:$0x3F8F] =	sst s1;
	(tag) =	ssettag s2;
	_ =	strace s9  }
0x27: {  	s1 =	sld [smem:$0x3F9F]  }
0x28: {  	s2 =	sld [smem:$0x3FA0]  }
0x29: {  	s4 =	sld [smem:$0x3FA2]  }
0x2a: {  	p0 =	seq.s32 s5, $0x0;
	s5 =	sld [smem:$0x3FA3]  }
0x2b: {  	s6 =	sld [smem:$0x3FA4]  }
0x2c: {  	s7 =	sld [smem:$0x3FA5]  }
0x2d: {  	s3 =	simm.s32 $0x108;
	s8 =	sld [smem:$0x3FA6]  }
0x2e: {  	s3 =	simm.s32 @!p0 $0x1082;
	s9 =	sld [smem:$0x3FA7]  }
0x2f: {  	lr =	sadd.s32 s0, s3;
	s0 =	sld [smem:$0x3F9E]  }
0x30: {  	s3 =	sld [smem:$0x3FA1]  }
0x31: {  	[smem:$0x3FAA] =	sst s10  }
0x32: {  	s10 =	sld [smem:$0x3FA8];
	_ =	sdelay $0x3  }
0x33: {  	p0 =	seq.s32 s10, $0x1;
	s10 =	sld [smem:$0x3FAA];
	_ =	sdelay $0x3  }
0x34: {  	[smem:$0x3FAA] =	sst s10  }
0x35: {  	s10 =	sld [smem:$0x3FA9];
	_ =	sdelay $0x3  }
0x36: {  	p1 =	seq.s32 s10, $0x1;
	s10 =	sld [smem:$0x3FAA];
	_ =	sdelay $0x3  }
0x37: {  	[smem:$0x3FAA] =	sst s10  }
0x38: {  	s10 =	sld [smem:$0x3FAB]  }
0x39: {  	_ = 	snop;
	(pc) =	sbr.ind lr, $3  }
0x3a: {  	_ = 	snop  }
0x3b: {  	_ = 	snop  }
0x3c: {  	p2 =	seq.s32 s10, $0x1;
	s10 =	sld [smem:$0x3FAA]  }
0x3d: {  	_ =	shalt  }
0x3e: {  	_ =	shalt  }
0x3f: {  	_ =	shalt  }
0x40: {  	_ =	shalt  }
0x41: {  	_ =	shalt  }
0x42: {  	_ =	shalt  }
0x43: {  	_ =	shalt  }
0x44: {  	_ =	shalt  }
0x45: {  	_ =	shalt  }
0x46: {  	_ =	shalt  }
0x47: {  	_ =	shalt  }
0x48: {  	_ =	shalt  }
0x49: {  	_ =	shalt  }
0x4a: {  	_ =	shalt  }
0x4b: {  	_ =	shalt  }
0x4c: {  	_ =	shalt  }
0x4d: {  	_ =	shalt  }
0x4e: {  	_ =	shalt  }
0x4f: {  	_ =	shalt  }
0x50: {  	_ =	shalt  }
0x51: {  	_ =	shalt  }
0x52: {  	_ =	shalt  }
0x53: {  	_ =	shalt  }
0x54: {  	_ =	shalt  }
0x55: {  	_ =	shalt  }
0x56: {  	_ =	shalt  }
0x57: {  	_ =	shalt  }
0x58: {  	_ =	shalt  }
0x59: {  	_ =	shalt  }
0x5a: {  	_ =	shalt  }
0x5b: {  	_ =	shalt  }
0x5c: {  	_ =	shalt  }
0x5d: {  	_ =	shalt  }
0x5e: {  	_ =	shalt  }
0x5f: {  	_ =	shalt  }
0x60: {  	_ =	shalt  }
0x61: {  	_ =	shalt  }
0x62: {  	_ =	shalt  }
0x63: {  	_ =	shalt  }
0x64: {  	_ =	shalt  }
0x65: {  	_ =	shalt  }
0x66: {  	_ =	shalt  }
0x67: {  	_ =	shalt  }
0x68: {  	_ =	shalt  }
0x69: {  	_ =	shalt  }
0x6a: {  	_ =	shalt  }
0x6b: {  	_ =	shalt  }
0x6c: {  	_ =	shalt  }
0x6d: {  	_ =	shalt  }
0x6e: {  	_ =	shalt  }
0x6f: {  	_ =	shalt  }
0x70: {  	_ =	shalt  }
0x71: {  	_ =	shalt  }
0x72: {  	_ =	shalt  }
0x73: {  	_ =	shalt  }
0x74: {  	_ =	shalt  }
0x75: {  	_ =	shalt  }
0x76: {  	_ =	shalt  }
0x77: {  	_ =	shalt  }
0x78: {  	_ =	shalt  }
0x79: {  	_ =	shalt  }
0x7a: {  	_ =	shalt  }
0x7b: {  	_ =	shalt  }
0x7c: {  	_ =	shalt  }
0x7d: {  	_ =	shalt  }
0x7e: {  	_ =	shalt  }
0x7f: {  	_ =	shalt  }
0x80: {  	_ =	shalt  }
0x81: {  	_ =	shalt  }
0x82: {  	_ =	shalt  }
0x83: {  	_ =	shalt  }
0x84: {  	_ =	shalt  }
0x85: {  	_ =	shalt  }
0x86: {  	_ =	shalt  }
0x87: {  	_ =	shalt  }
.Lfunc_end0:
.L_simem_size_0:
called_computation.1_lowered:
.L_overlay_start_0:
0x88: {  	s2 =	sld [smem:$0x3FD9]  }
0x89: {  	s3 =	sld [smem:$0x3FFE];
	_ =	sdelay $0x1  }
0x8a: {  	s1 =	srdreg.scid  }
0x8b: {  	s0 =	sand.u32 $0x1, s1  }
0x8c: {  	s16 =	sshll.u32 s0, $0xA;
	s2 =	sadd.s32 s3, s2  }
0x8d: {  	s2 =	sadd.s32 s2, s16  }
0x8e: {  	[smem:$0x3FB6] =	sst s2  }
0x8f: {  	_ = 	snop  }
0x90: {  	(tm) =	ssettm $0x1  }
0x91: {  	s17 =	sld [smem:$0x3FFB];
	_ =	sdelay $0x3  }
0x92: {  	_ =	strace s17  }
0x93: {  	s2 =	sld [smem:$0x3FFC];
	_ =	sdelay $0x3  }
0x94: {  	_ =	strace s2  }
0x95: {  	s2 =	sld [smem:$0x3FFD];
	_ =	sdelay $0x3  }
0x96: {  	_ =	strace s2  }
0x97: {  	_ =	strace $0x8FFFFFFF  }
0x98: {  	s18 =	sld [smem:$0x3FDB];
	_ =	sdelay $0x1  }
0x99: {  	s19 =	simm.s32 $_scs_section_size  }
0x9a: {  	s4 =	simm.s32 $_size__tile_overlayer_lowered;
	s5 =	simm.s32 $_tile_overlayer_lowered  }
0x9b: {  	s22 =	simm.s32 $0x1BFF;
	s21 =	sshll.u32 s5, $0x1;
	s2 =	sadd.s32 s19, s18  }
0x9c: {  	s6 =	simm.s32 $0x0;
	s20 =	sshll.u32 s4, $0x1;
	s4 =	sadd.s32 s21, s2  }
0x9d: {  	[timem:s6], [sflag:s22] =	dma.local [hbm:s4], s20  }
0x9e: {  	_ =	swait.ge [sflag:s22], s20  }
0x9f: {  	s3 =	ssub.s32 $0x0, s20;
	[sflag:s22] =	ssyncset.done $0x0  }
0xa0: {  	[sflag:s22] =	ssyncadd.s32 s3;
	_ =	sdelay $0x1  }
0xa1: {  	s23 =	simm.s32 $0x1B8B  }
0xa2: {  	_ =	swait.ge [sflag:s23], $0x1  }
0xa3: {  	[sflag:s23] =	ssyncset.done $0x0  }
0xa4: {  	s25 =	simm.s32 $0x1B8E;
	s24 =	sld [smem:$0x3FFE];
	[sflag:s23] =	ssyncadd.s32 $0xFFFFFFFF  }
0xa5: {  	s26 =	simm.s32 $execute0_lowered;
	[smem:$0x3FD2] =	sst s25  }
0xa6: {  	s4 =	sshll.u32 s26, $0x1;
	_ =	strace $0x80000049;
	[dreg:$0x1] =	wrdreg $0xFFFFFFFF  }
0xa7: {  	s28 =	simm.s32 $_size_execute0_lowered;
	s2 =	sadd.s32 s2, s4;
	[dreg:$0x0] =	wrdreg $0x0  }
0xa8: {  	s4 =	sshll.u32 s28, $0x1;
	[dreg:$0x2] =	wrdreg s2  }
0xa9: {  	[dreg:$0x3] =	wrdreg s4  }
0xaa: {  	[dreg:$0x4] =	wrdreg $0xC0  }
0xab: {  	_ =	task [dreg:s6], $0x5FFFF  }
0xac: {  	[dreg:$0x1] =	wrdreg $0xFFFFFFFF  }
0xad: {  	[dreg:$0x0] =	wrdreg $0x60  }
0xae: {  	[dreg:$0x2] =	wrdreg s24  }
0xaf: {  	[dreg:$0x3] =	wrdreg $0x9  }
0xb0: {  	_ =	task.clear_ibuf [dreg:s6], $0x4FFFF;
	_ =	strace $0x90000049  }
0xb1: {  	s29 =	simm.s32 $0x9;
	_ =	strace $0x8000004B  }
0xb2: {  	_ =	swait.ge [sflag:s29], $0x1  }
0xb3: {  	[sflag:s29] =	ssyncadd.s32 $0xFFFFFFFF  }
0xb4: {  	_ =	strace $0x9000004B  }
0xb5: {  	_ =	sfence  }
0xb6: {  	s30 =	sld [smem:$0x0];
	_ =	sdelay $0x2  }
0xb7: {  	s31 =	sshll.u32 s1, $0xD;
	s1 =	sshrl.u32 s1, $0x2  }
0xb8: {  	s3 =	sand.u32 $0x4000, s31;
	s1 =	sadd.s32 s1, s30  }
0xb9: {  	s0 =	sor.u32 s3, s0;
	s1 =	sshll.u32 s1, $0x11  }
0xba: {  	s0 =	sor.u32 s1, s0  }
0xbb: {  	s0 =	sadd.s32 $0x8F2B, s0  }
0xbc: {  	[sflag:s0] =	ssyncadd.remote.s32 $0x1  }
0xbd: {  	_ =	sfence.sel $0xFFFF  }
0xbe: {  	[dreg:$0x0] =	wrdreg $0xFFFFFFFF;
	(pc) =	sbr.abs _section_cstart, $3  }
0xbf: {  	[dreg:$0x1] =	wrdreg $0xFFFFFFFF  }
0xc0: {  	_ =	task.clear_ibuf [dreg:s6], $0x2FFFF;
	_ =	strace $0x9FFFFFFF  }
0xc1: {  	(tm) =	ssettm $0x7FFFFFFF  }
tec
execute0_lowered:
.L_overlay_start_1:
0x0: {  	(tag) =	ssettag $0x1  }
0x1: {  	s0 =	rddreg [dreg:$0x0]  }
0x2: {  	s2 =	simm.s32 $0x0;
	s1 =	srdreg.scid;
	s3 =	stileid.u32  }
0x3: {  	s18 =	simm.s32 $0x1;
	s20 =	simm.s32 $0x880;
	s21 =	simm.s32 $0x1080  }
0x4: {  	s22 =	simm.s32 $0x1880;
	s28 =	simm.s32 $0x4080;
	s29 =	simm.s32 $0x4880  }
0x5: {  	s30 =	simm.s32 $0x5080;
	s31 =	simm.s32 $0x5880;
	s10 =	simm.s32 $0x7080  }
0x6: {  	s11 =	simm.s32 $0x7880;
	s12 =	simm.s32 $0x8080;
	s13 =	simm.s32 $0x8880  }
0x7: {  	s14 =	simm.s32 $0x9080;
	s15 =	simm.s32 $0x9880;
	s16 =	simm.s32 $0xA080  }
0x8: {  	s17 =	simm.s32 $0xA880;
	s9 =	simm.s32 $0xB080;
	[smem:$0x7FF] =	sst s2  }
0x9: {  	s1 =	sand.u32 $0x1, s1;
	s3 =	sshll.u32 s3, $0x1;
	_ =	strace $0x8000004A  }
0xa: {  	s4 =	sor.u32 s1, s3;
	s3 =	sadd.s32 $0x124C00, s0;
	s1 =	ssub.s32 $0x2, s1  }
0xb: {  	s5 =	sshll.u32 s4, $0x5;
	s4 =	sshll.u32 s4, $0xE;
	s23 =	sshrl.u32 s1, $0x1  }
0xc: {  	s6 =	sadd.s32 s5, s0;
	s7 =	sadd.s32 s4, s0;
	s4 =	sadd.s32 $0x124D00, s0  }
0xd: {  	s1 =	ssub.s32 s1, s23;
	s5 =	sadd.s32 $0x124E00, s0;
	s24 =	sadd.s32 $0xC00, s6  }
0xe: {  	s23 =	simm.s32 $0x2080;
	s8 =	sadd.s32 $0x24C00, s7;
	[dreg:$0x2] =	wrdreg s24  }
0xf: {  	s25 =	sadd.s32 $0xC10, s6;
	s6 =	sadd.s32 $0x124F00, s0;
	[dreg:$0x3] =	wrdreg s8  }
0x10: {  	v2 =	vlaneseq.u32;
	s26 =	sadd.s32 $0x26C00, s7;
	s7 =	smax.u32 s1, $0x1;
	[dreg:$0x4] =	wrdreg s25  }
0x11: {  	vm0 =	vmmov $0xffff;
	v1 =	vshrl.u32 v2, $0x3;
	s0 =	simm.s32 $0x80;
	[dreg:$0x5] =	wrdreg s26;
	s8 =	simm.s32 $0x2  }
0x12: {  	v0 =	vand.u32 $0x7, v2;
	v2 =	vor.u32 $0x8, v2;
	v1 =	vmul.u32 $0x8, v1;
	s24 =	simm.s32 $0x2880;
	s25 =	simm.s32 $0x3080;
	s26 =	simm.s32 $0x3880  }
.LBB2_1:
0x13: {  	s19 =	rddreg [dreg:$0x2]  }
0x14: {  	[tilespmem:s2], [sflag:$0x2] =	stream.linear.gather [hbm4b:s19+s2], $0x80, $0x38;
	[tilespmem:$0x10080] =	vst v63  }
0x15: {  	_ =	swait.ge [sflag:s8], $0x80  }
0x16: {  	[sflag:s8] =	ssyncset.done $0x0  }
0x17: {  	[sflag:s8] =	ssyncadd.s32 $0xFFFFFF80  }
0x18: {  	v3 =	vld [tilespmem:$0x0];
	_ =	sdelay $0x4  }
0x19: {  	v4 =	vshll.u32 v3, $0x3  }
0x1a: {  	v3 =	vand.u32 $0x7, v3;
	v4 =	vand.u32 $0xFFFFFFC0, v4  }
0x1b: {  	v3 =	vor.u32 v3, v4  }
0x1c: {  	v4 =	vperm.xlane v3, v0;
	_ =	sdelay $0x1  }
0x1d: {  	v4 =	vadd.s32 v1, v4;
	_ =	sdelay $0x4  }
0x1e: {  	[tilespmem:s0], [sflag:$0x1] =	stream.indirect_vreg.gather [hbm4b:s3+s2], $0x80, v4, vm0, $0xb8;
	[tilespmem:$0x10080] =	vst v63  }
0x1f: {  	v3 =	vperm.xlane v3, v2  }
0x20: {  	[tilespmem:s20], [sflag:$0x1] =	stream.indirect_vreg.gather [hbm4b:s4+s2], $0x80, v4, vm0, $0xb8;
	[tilespmem:$0x10080] =	vst v63  }
0x21: {  	v3 =	vadd.s32 v1, v3  }
0x22: {  	[tilespmem:s21], [sflag:$0x1] =	stream.indirect_vreg.gather [hbm4b:s5+s2], $0x80, v4, vm0, $0xb8;
	[tilespmem:$0x10080] =	vst v63  }
0x23: {  	_ = 	snop  }
0x24: {  	[tilespmem:s22], [sflag:$0x1] =	stream.indirect_vreg.gather [hbm4b:s6+s2], $0x80, v4, vm0, $0xb8;
	[tilespmem:$0x10080] =	vst v63  }
0x25: {  	_ = 	snop  }
0x26: {  	[tilespmem:s23], [sflag:$0x1] =	stream.indirect_vreg.gather [hbm4b:s3+s2], $0x80, v3, vm0, $0xb8;
	[tilespmem:$0x10080] =	vst v63  }
0x27: {  	_ = 	snop  }
0x28: {  	[tilespmem:s24], [sflag:$0x1] =	stream.indirect_vreg.gather [hbm4b:s4+s2], $0x80, v3, vm0, $0xb8;
	[tilespmem:$0x10080] =	vst v63  }
0x29: {  	_ = 	snop  }
0x2a: {  	[tilespmem:s25], [sflag:$0x1] =	stream.indirect_vreg.gather [hbm4b:s5+s2], $0x80, v3, vm0, $0xb8;
	[tilespmem:$0x10080] =	vst v63  }
0x2b: {  	_ = 	snop  }
0x2c: {  	[tilespmem:s26], [sflag:$0x1] =	stream.indirect_vreg.gather [hbm4b:s6+s2], $0x80, v3, vm0, $0xb8;
	[tilespmem:$0x10080] =	vst v63  }
0x2d: {  	v3 =	vld [tilespmem:$0x10];
	_ =	sdelay $0x4  }
0x2e: {  	v57 =	vshll.u32 v3, $0x3  }
0x2f: {  	v3 =	vand.u32 $0x7, v3;
	v4 =	vand.u32 $0xFFFFFFC0, v57  }
0x30: {  	v3 =	vor.u32 v3, v4  }
0x31: {  	v4 =	vperm.xlane v3, v0;
	_ =	sdelay $0x1  }
0x32: {  	v4 =	vadd.s32 v1, v4;
	_ =	sdelay $0x4  }
0x33: {  	[tilespmem:s28], [sflag:$0x1] =	stream.indirect_vreg.gather [hbm4b:s3+s2], $0x80, v4, vm0, $0xb8;
	[tilespmem:$0x10080] =	vst v63  }
0x34: {  	v3 =	vperm.xlane v3, v2  }
0x35: {  	[tilespmem:s29], [sflag:$0x1] =	stream.indirect_vreg.gather [hbm4b:s4+s2], $0x80, v4, vm0, $0xb8;
	[tilespmem:$0x10080] =	vst v63  }
0x36: {  	v3 =	vadd.s32 v1, v3  }
0x37: {  	[tilespmem:s30], [sflag:$0x1] =	stream.indirect_vreg.gather [hbm4b:s5+s2], $0x80, v4, vm0, $0xb8;
	[tilespmem:$0x10080] =	vst v63  }
0x38: {  	_ = 	snop  }
0x39: {  	[tilespmem:s31], [sflag:$0x1] =	stream.indirect_vreg.gather [hbm4b:s6+s2], $0x80, v4, vm0, $0xb8;
	[tilespmem:$0x10080] =	vst v63  }
0x3a: {  	s1 =	simm.s32 $0x6080  }
0x3b: {  	[tilespmem:s1], [sflag:$0x1] =	stream.indirect_vreg.gather [hbm4b:s3+s2], $0x80, v3, vm0, $0xb8;
	[tilespmem:$0x10080] =	vst v63  }
0x3c: {  	s1 =	simm.s32 $0x6880  }
0x3d: {  	[tilespmem:s1], [sflag:$0x1] =	stream.indirect_vreg.gather [hbm4b:s4+s2], $0x80, v3, vm0, $0xb8;
	[tilespmem:$0x10080] =	vst v63  }
0x3e: {  	_ = 	snop  }
0x3f: {  	[tilespmem:s10], [sflag:$0x1] =	stream.indirect_vreg.gather [hbm4b:s5+s2], $0x80, v3, vm0, $0xb8;
	[tilespmem:$0x10080] =	vst v63  }
0x40: {  	_ = 	snop  }
0x41: {  	[tilespmem:s11], [sflag:$0x1] =	stream.indirect_vreg.gather [hbm4b:s6+s2], $0x80, v3, vm0, $0xb8;
	[tilespmem:$0x10080] =	vst v63  }
0x42: {  	v3 =	vld [tilespmem:$0x20];
	_ =	sdelay $0x4  }
0x43: {  	v58 =	vshll.u32 v3, $0x3  }
0x44: {  	v3 =	vand.u32 $0x7, v3;
	v4 =	vand.u32 $0xFFFFFFC0, v58  }
0x45: {  	v3 =	vor.u32 v3, v4  }
0x46: {  	v4 =	vperm.xlane v3, v0;
	_ =	sdelay $0x1  }
0x47: {  	v4 =	vadd.s32 v1, v4;
	_ =	sdelay $0x4  }
0x48: {  	[tilespmem:s12], [sflag:$0x1] =	stream.indirect_vreg.gather [hbm4b:s3+s2], $0x80, v4, vm0, $0xb8;
	[tilespmem:$0x10080] =	vst v63  }
0x49: {  	v3 =	vperm.xlane v3, v2  }
0x4a: {  	[tilespmem:s13], [sflag:$0x1] =	stream.indirect_vreg.gather [hbm4b:s4+s2], $0x80, v4, vm0, $0xb8;
	[tilespmem:$0x10080] =	vst v63  }
0x4b: {  	v3 =	vadd.s32 v1, v3  }
0x4c: {  	[tilespmem:s14], [sflag:$0x1] =	stream.indirect_vreg.gather [hbm4b:s5+s2], $0x80, v4, vm0, $0xb8;
	[tilespmem:$0x10080] =	vst v63  }
0x4d: {  	_ = 	snop  }
0x4e: {  	[tilespmem:s15], [sflag:$0x1] =	stream.indirect_vreg.gather [hbm4b:s6+s2], $0x80, v4, vm0, $0xb8;
	[tilespmem:$0x10080] =	vst v63  }
0x4f: {  	_ = 	snop  }
0x50: {  	[tilespmem:s16], [sflag:$0x1] =	stream.indirect_vreg.gather [hbm4b:s3+s2], $0x80, v3, vm0, $0xb8;
	[tilespmem:$0x10080] =	vst v63  }
0x51: {  	_ = 	snop  }
0x52: {  	[tilespmem:s17], [sflag:$0x1] =	stream.indirect_vreg.gather [hbm4b:s4+s2], $0x80, v3, vm0, $0xb8;
	[tilespmem:$0x10080] =	vst v63  }
0x53: {  	_ = 	snop  }
0x54: {  	[tilespmem:s9], [sflag:$0x1] =	stream.indirect_vreg.gather [hbm4b:s5+s2], $0x80, v3, vm0, $0xb8;
	[tilespmem:$0x10080] =	vst v63  }
0x55: {  	s19 =	simm.s32 $0xB880  }
0x56: {  	[tilespmem:s19], [sflag:$0x1] =	stream.indirect_vreg.gather [hbm4b:s6+s2], $0x80, v3, vm0, $0xb8;
	[tilespmem:$0x10080] =	vst v63  }
0x57: {  	v3 =	vld [tilespmem:$0x30];
	_ =	sdelay $0x4  }
0x58: {  	v59 =	vshll.u32 v3, $0x3  }
0x59: {  	v3 =	vand.u32 $0x7, v3;
	v4 =	vand.u32 $0xFFFFFFC0, v59  }
0x5a: {  	v3 =	vor.u32 v3, v4  }
0x5b: {  	v4 =	vperm.xlane v3, v0;
	_ =	sdelay $0x1  }
0x5c: {  	v4 =	vadd.s32 v1, v4;
	_ =	sdelay $0x3  }
0x5d: {  	s19 =	simm.s32 $0xC080  }
0x5e: {  	[tilespmem:s19], [sflag:$0x1] =	stream.indirect_vreg.gather [hbm4b:s3+s2], $0x80, v4, vm0, $0xb8;
	[tilespmem:$0x10080] =	vst v63  }
0x5f: {  	v3 =	vperm.xlane v3, v2;
	s19 =	simm.s32 $0xC880  }
0x60: {  	[tilespmem:s19], [sflag:$0x1] =	stream.indirect_vreg.gather [hbm4b:s4+s2], $0x80, v4, vm0, $0xb8;
	[tilespmem:$0x10080] =	vst v63  }
0x61: {  	v3 =	vadd.s32 v1, v3;
	s19 =	simm.s32 $0xD080  }
0x62: {  	[tilespmem:s19], [sflag:$0x1] =	stream.indirect_vreg.gather [hbm4b:s5+s2], $0x80, v4, vm0, $0xb8;
	[tilespmem:$0x10080] =	vst v63  }
0x63: {  	s19 =	simm.s32 $0xD880  }
0x64: {  	[tilespmem:s19], [sflag:$0x1] =	stream.indirect_vreg.gather [hbm4b:s6+s2], $0x80, v4, vm0, $0xb8;
	[tilespmem:$0x10080] =	vst v63  }
0x65: {  	s19 =	simm.s32 $0xE080  }
0x66: {  	[tilespmem:s19], [sflag:$0x1] =	stream.indirect_vreg.gather [hbm4b:s3+s2], $0x80, v3, vm0, $0xb8;
	[tilespmem:$0x10080] =	vst v63  }
0x67: {  	s19 =	simm.s32 $0xE880  }
0x68: {  	[tilespmem:s19], [sflag:$0x1] =	stream.indirect_vreg.gather [hbm4b:s4+s2], $0x80, v3, vm0, $0xb8;
	[tilespmem:$0x10080] =	vst v63  }
0x69: {  	s19 =	simm.s32 $0xF080  }
0x6a: {  	[tilespmem:s19], [sflag:$0x1] =	stream.indirect_vreg.gather [hbm4b:s5+s2], $0x80, v3, vm0, $0xb8;
	[tilespmem:$0x10080] =	vst v63  }
0x6b: {  	s19 =	simm.s32 $0xF880  }
0x6c: {  	[tilespmem:s19], [sflag:$0x1] =	stream.indirect_vreg.gather [hbm4b:s6+s2], $0x80, v3, vm0, $0xb8;
	[tilespmem:$0x10080] =	vst v63  }
0x6d: {  	_ =	swait.ge [sflag:s18], $0x10000  }
0x6e: {  	[sflag:s18] =	ssyncset.done $0x0  }
0x6f: {  	s19 =	rddreg [dreg:$0x3];
	[sflag:s18] =	ssyncadd.s32 $0xFFFF0000  }
0x70: {  	[hbm4b:s19+s2] =	stream.linear.scatter [tilespmem:s0], [sflag:$0x2], $0x10000, $0x38;
	[tilespmem:$0x10080] =	vst v63  }
0x71: {  	_ =	swait.ge [sflag:s8], $0x10000  }
0x72: {  	[sflag:s8] =	ssyncset.done $0x0  }
0x73: {  	s19 =	rddreg [dreg:$0x4];
	[sflag:s8] =	ssyncadd.s32 $0xFFFF0000  }
0x74: {  	[tilespmem:s2], [sflag:$0x2] =	stream.linear.gather [hbm4b:s19+s2], $0x80, $0x38;
	[tilespmem:$0x10080] =	vst v63  }
0x75: {  	_ =	swait.ge [sflag:s8], $0x80  }
0x76: {  	[sflag:s8] =	ssyncset.done $0x0  }
0x77: {  	[sflag:s8] =	ssyncadd.s32 $0xFFFFFF80  }
0x78: {  	v3 =	vld [tilespmem:$0x0];
	_ =	sdelay $0x4  }
0x79: {  	v60 =	vshll.u32 v3, $0x3  }
0x7a: {  	v3 =	vand.u32 $0x7, v3;
	v4 =	vand.u32 $0xFFFFFFC0, v60  }
0x7b: {  	v3 =	vor.u32 v3, v4  }
0x7c: {  	v4 =	vperm.xlane v3, v0;
	_ =	sdelay $0x1  }
0x7d: {  	v4 =	vadd.s32 v1, v4;
	_ =	sdelay $0x4  }
0x7e: {  	[tilespmem:s0], [sflag:$0x1] =	stream.indirect_vreg.gather [hbm4b:s3+s2], $0x80, v4, vm0, $0xb8;
	[tilespmem:$0x10080] =	vst v63  }
0x7f: {  	v3 =	vperm.xlane v3, v2  }
0x80: {  	[tilespmem:s20], [sflag:$0x1] =	stream.indirect_vreg.gather [hbm4b:s4+s2], $0x80, v4, vm0, $0xb8;
	[tilespmem:$0x10080] =	vst v63  }
0x81: {  	v3 =	vadd.s32 v1, v3  }
0x82: {  	[tilespmem:s21], [sflag:$0x1] =	stream.indirect_vreg.gather [hbm4b:s5+s2], $0x80, v4, vm0, $0xb8;
	[tilespmem:$0x10080] =	vst v63  }
0x83: {  	_ = 	snop  }
0x84: {  	[tilespmem:s22], [sflag:$0x1] =	stream.indirect_vreg.gather [hbm4b:s6+s2], $0x80, v4, vm0, $0xb8;
	[tilespmem:$0x10080] =	vst v63  }
0x85: {  	_ = 	snop  }
0x86: {  	[tilespmem:s23], [sflag:$0x1] =	stream.indirect_vreg.gather [hbm4b:s3+s2], $0x80, v3, vm0, $0xb8;
	[tilespmem:$0x10080] =	vst v63  }
0x87: {  	_ = 	snop  }
0x88: {  	[tilespmem:s24], [sflag:$0x1] =	stream.indirect_vreg.gather [hbm4b:s4+s2], $0x80, v3, vm0, $0xb8;
	[tilespmem:$0x10080] =	vst v63  }
0x89: {  	_ = 	snop  }
0x8a: {  	[tilespmem:s25], [sflag:$0x1] =	stream.indirect_vreg.gather [hbm4b:s5+s2], $0x80, v3, vm0, $0xb8;
	[tilespmem:$0x10080] =	vst v63  }
0x8b: {  	_ = 	snop  }
0x8c: {  	[tilespmem:s26], [sflag:$0x1] =	stream.indirect_vreg.gather [hbm4b:s6+s2], $0x80, v3, vm0, $0xb8;
	[tilespmem:$0x10080] =	vst v63  }
0x8d: {  	v3 =	vld [tilespmem:$0x10];
	_ =	sdelay $0x4  }
0x8e: {  	v61 =	vshll.u32 v3, $0x3  }
0x8f: {  	v3 =	vand.u32 $0x7, v3;
	v4 =	vand.u32 $0xFFFFFFC0, v61  }
0x90: {  	v3 =	vor.u32 v3, v4  }
0x91: {  	v4 =	vperm.xlane v3, v0;
	_ =	sdelay $0x1  }
0x92: {  	v4 =	vadd.s32 v1, v4;
	_ =	sdelay $0x4  }
0x93: {  	[tilespmem:s28], [sflag:$0x1] =	stream.indirect_vreg.gather [hbm4b:s3+s2], $0x80, v4, vm0, $0xb8;
	[tilespmem:$0x10080] =	vst v63  }
0x94: {  	v3 =	vperm.xlane v3, v2  }
0x95: {  	[tilespmem:s29], [sflag:$0x1] =	stream.indirect_vreg.gather [hbm4b:s4+s2], $0x80, v4, vm0, $0xb8;
	[tilespmem:$0x10080] =	vst v63  }
0x96: {  	v3 =	vadd.s32 v1, v3  }
0x97: {  	[tilespmem:s30], [sflag:$0x1] =	stream.indirect_vreg.gather [hbm4b:s5+s2], $0x80, v4, vm0, $0xb8;
	[tilespmem:$0x10080] =	vst v63  }
0x98: {  	_ = 	snop  }
0x99: {  	[tilespmem:s31], [sflag:$0x1] =	stream.indirect_vreg.gather [hbm4b:s6+s2], $0x80, v4, vm0, $0xb8;
	[tilespmem:$0x10080] =	vst v63  }
0x9a: {  	s19 =	simm.s32 $0x6080  }
0x9b: {  	[tilespmem:s19], [sflag:$0x1] =	stream.indirect_vreg.gather [hbm4b:s3+s2], $0x80, v3, vm0, $0xb8;
	[tilespmem:$0x10080] =	vst v63  }
0x9c: {  	_ = 	snop  }
0x9d: {  	[tilespmem:s1], [sflag:$0x1] =	stream.indirect_vreg.gather [hbm4b:s4+s2], $0x80, v3, vm0, $0xb8;
	[tilespmem:$0x10080] =	vst v63  }
0x9e: {  	_ = 	snop  }
0x9f: {  	[tilespmem:s10], [sflag:$0x1] =	stream.indirect_vreg.gather [hbm4b:s5+s2], $0x80, v3, vm0, $0xb8;
	[tilespmem:$0x10080] =	vst v63  }
0xa0: {  	_ = 	snop  }
0xa1: {  	[tilespmem:s11], [sflag:$0x1] =	stream.indirect_vreg.gather [hbm4b:s6+s2], $0x80, v3, vm0, $0xb8;
	[tilespmem:$0x10080] =	vst v63  }
0xa2: {  	v3 =	vld [tilespmem:$0x20];
	_ =	sdelay $0x4  }
0xa3: {  	v62 =	vshll.u32 v3, $0x3  }
0xa4: {  	v3 =	vand.u32 $0x7, v3;
	v4 =	vand.u32 $0xFFFFFFC0, v62  }
0xa5: {  	v3 =	vor.u32 v3, v4  }
0xa6: {  	v4 =	vperm.xlane v3, v0;
	_ =	sdelay $0x1  }
0xa7: {  	v4 =	vadd.s32 v1, v4;
	_ =	sdelay $0x4  }
0xa8: {  	[tilespmem:s12], [sflag:$0x1] =	stream.indirect_vreg.gather [hbm4b:s3+s2], $0x80, v4, vm0, $0xb8;
	[tilespmem:$0x10080] =	vst v63  }
0xa9: {  	v3 =	vperm.xlane v3, v2  }
0xaa: {  	[tilespmem:s13], [sflag:$0x1] =	stream.indirect_vreg.gather [hbm4b:s4+s2], $0x80, v4, vm0, $0xb8;
	[tilespmem:$0x10080] =	vst v63  }
0xab: {  	v3 =	vadd.s32 v1, v3  }
0xac: {  	[tilespmem:s14], [sflag:$0x1] =	stream.indirect_vreg.gather [hbm4b:s5+s2], $0x80, v4, vm0, $0xb8;
	[tilespmem:$0x10080] =	vst v63  }
0xad: {  	_ = 	snop  }
0xae: {  	[tilespmem:s15], [sflag:$0x1] =	stream.indirect_vreg.gather [hbm4b:s6+s2], $0x80, v4, vm0, $0xb8;
	[tilespmem:$0x10080] =	vst v63  }
0xaf: {  	_ = 	snop  }
0xb0: {  	[tilespmem:s16], [sflag:$0x1] =	stream.indirect_vreg.gather [hbm4b:s3+s2], $0x80, v3, vm0, $0xb8;
	[tilespmem:$0x10080] =	vst v63  }
0xb1: {  	_ = 	snop  }
0xb2: {  	[tilespmem:s17], [sflag:$0x1] =	stream.indirect_vreg.gather [hbm4b:s4+s2], $0x80, v3, vm0, $0xb8;
	[tilespmem:$0x10080] =	vst v63  }
0xb3: {  	_ = 	snop  }
0xb4: {  	[tilespmem:s9], [sflag:$0x1] =	stream.indirect_vreg.gather [hbm4b:s5+s2], $0x80, v3, vm0, $0xb8;
	[tilespmem:$0x10080] =	vst v63  }
0xb5: {  	s19 =	simm.s32 $0xB880  }
0xb6: {  	[tilespmem:s19], [sflag:$0x1] =	stream.indirect_vreg.gather [hbm4b:s6+s2], $0x80, v3, vm0, $0xb8;
	[tilespmem:$0x10080] =	vst v63  }
0xb7: {  	v3 =	vld [tilespmem:$0x30];
	_ =	sdelay $0x4  }
0xb8: {  	v63 =	vshll.u32 v3, $0x3  }
0xb9: {  	v3 =	vand.u32 $0x7, v3;
	v4 =	vand.u32 $0xFFFFFFC0, v63  }
0xba: {  	v3 =	vor.u32 v3, v4  }
0xbb: {  	v4 =	vperm.xlane v3, v0;
	_ =	sdelay $0x1  }
0xbc: {  	v4 =	vadd.s32 v1, v4;
	_ =	sdelay $0x3  }
0xbd: {  	s19 =	simm.s32 $0xC080  }
0xbe: {  	[tilespmem:s19], [sflag:$0x1] =	stream.indirect_vreg.gather [hbm4b:s3+s2], $0x80, v4, vm0, $0xb8;
	[tilespmem:$0x10080] =	vst v63  }
0xbf: {  	v3 =	vperm.xlane v3, v2;
	s19 =	simm.s32 $0xC880  }
0xc0: {  	[tilespmem:s19], [sflag:$0x1] =	stream.indirect_vreg.gather [hbm4b:s4+s2], $0x80, v4, vm0, $0xb8;
	[tilespmem:$0x10080] =	vst v63  }
0xc1: {  	v3 =	vadd.s32 v1, v3;
	s19 =	simm.s32 $0xD080  }
0xc2: {  	[tilespmem:s19], [sflag:$0x1] =	stream.indirect_vreg.gather [hbm4b:s5+s2], $0x80, v4, vm0, $0xb8;
	[tilespmem:$0x10080] =	vst v63  }
0xc3: {  	s19 =	simm.s32 $0xD880  }
0xc4: {  	[tilespmem:s19], [sflag:$0x1] =	stream.indirect_vreg.gather [hbm4b:s6+s2], $0x80, v4, vm0, $0xb8;
	[tilespmem:$0x10080] =	vst v63  }
0xc5: {  	s19 =	simm.s32 $0xE080  }
0xc6: {  	[tilespmem:s19], [sflag:$0x1] =	stream.indirect_vreg.gather [hbm4b:s3+s2], $0x80, v3, vm0, $0xb8;
	[tilespmem:$0x10080] =	vst v63  }
0xc7: {  	s19 =	simm.s32 $0xE880  }
0xc8: {  	[tilespmem:s19], [sflag:$0x1] =	stream.indirect_vreg.gather [hbm4b:s4+s2], $0x80, v3, vm0, $0xb8;
	[tilespmem:$0x10080] =	vst v63  }
0xc9: {  	s19 =	simm.s32 $0xF080  }
0xca: {  	[tilespmem:s19], [sflag:$0x1] =	stream.indirect_vreg.gather [hbm4b:s5+s2], $0x80, v3, vm0, $0xb8;
	[tilespmem:$0x10080] =	vst v63  }
0xcb: {  	s19 =	simm.s32 $0xF880  }
0xcc: {  	[tilespmem:s19], [sflag:$0x1] =	stream.indirect_vreg.gather [hbm4b:s6+s2], $0x80, v3, vm0, $0xb8;
	[tilespmem:$0x10080] =	vst v63  }
0xcd: {  	_ =	swait.ge [sflag:s18], $0x10000  }
0xce: {  	p0 =	sne.s32 s7, $0x1;
	[sflag:s18] =	ssyncset.done $0x0  }
.Ltmp0:
0xcf: {  	s1 =	rddreg [dreg:$0x5];
	[sflag:s18] =	ssyncadd.s32 $0xFFFF0000;
	(pc) =	sbr.rel @p0 .LBB2_1-.Ltmp0, $4  }
0xd0: {  	[hbm4b:s1+s2] =	stream.linear.scatter [tilespmem:s0], [sflag:$0x2], $0x10000, $0x38;
	[tilespmem:$0x10080] =	vst v63  }
0xd1: {  	_ =	swait.ge [sflag:s8], $0x10000  }
0xd2: {  	[sflag:s8] =	ssyncset.done $0x0  }
0xd3: {  	s7 =	sadd.s32 $0xFFFFFFFF, s7;
	[sflag:s8] =	ssyncadd.s32 $0xFFFF0000  }
0xd4: {  	_ =	sfence.sel $0x180000  }
0xd5: {  	[bflag:$0x0] =	sbarrier.arrive $0xFFFF  }
0xd6: {  	_ =	strace $0x9000004A  }
0xd7: {  	s0 =	stileid.u32;
	[bflag:$0x2] =	sbarrier.arrive $0xFFFF  }
0xd8: {  	p0 =	sne.s32 s0, $0x0;
	s0 =	rddreg [dreg:$0x1]  }
0xd9: {  	s0 =	sadd.s32 @!p0 $0x100000, s0  }
0xda: {  	[sflag:s0] =	ssyncadd.tile.s32 @!p0 $0x1;
	_ =	shalt  }
.Lfunc_end2:
_tile_overlayer_lowered:
.L_overlay_start_2:
0xdb: {  	(tag) =	ssettag $0x2  }
0xdc: {  	s0 =	rddreg [dreg:$0x0];
	s2 =	stileid.u32  }
0xdd: {  	s1 =	rddreg [dreg:$0x1];
	p0 =	sne.s32 s2, $0x0  }
0xde: {  	s3 =	rddreg [dreg:$0x2];
	[bflag:$0x3] =	sbarrier.arrive $0xFFFF;
	s2 =	simm.s32 @!p0 $0x1C02  }
0xdf: {  	[timem:s3], [sflag:s2] =	dma.local @!p0 [hbm:s0], s1  }
0xe0: {  	s0 =	simm.s32 @!p0 $0x2  }
0xe1: {  	_ =	swait.ge @!p0 [sflag:s0], s1  }
0xe2: {  	s1 =	ssub.s32 @!p0 $0x0, s1;
	[sflag:s0] =	ssyncset.done @!p0 $0x0  }
0xe3: {  	[sflag:s0] =	ssyncadd.s32 @!p0 s1  }
0xe4: {  	[bflag:$0x3] =	sbarrier.arrive $0xFFFF  }
0xe5: {  	_ =	shalt  }

// kernel: kernel.8.cloned.1.call-start
scs
__scs_entry_jumppad:
0x0: {  	(pc) =	sbr.rel $0x88, $3  }
0x1: {  	(tag) =	ssettag $0x0;
	lr =	simm.s32 $0x1  }
0x2: {  	[smem:$0x3F8F] =	sst lr;
	_ =	strace $0xD0000000  }
0x3: {  	_ = 	snop  }
0x4: {  	_ = 	snop  }
0x5: {  	_ = 	snop  }
0x6: {  	_ = 	snop  }
0x7: {  	_ = 	snop  }
__scs_overlays_trampoline_lowered:
0x8: {  	[smem:$0x3F9E] =	sst s0  }
0x9: {  	[smem:$0x3F9F] =	sst s1  }
0xa: {  	[smem:$0x3FA0] =	sst s2  }
0xb: {  	[smem:$0x3FA1] =	sst s3  }
0xc: {  	[smem:$0x3FA2] =	sst s4  }
0xd: {  	[smem:$0x3FA3] =	sst s5  }
0xe: {  	[smem:$0x3FA4] =	sst s6  }
0xf: {  	[smem:$0x3FA5] =	sst s7  }
0x10: {  	[smem:$0x3FA6] =	sst s8  }
0x11: {  	[smem:$0x3FA7] =	sst s9;
	s0 =	simm.s32 @!p0 $0x0  }
0x12: {  	s1 =	sld [smem:$0x3F8D];
	s0 =	simm.s32 @p0 $0x1  }
0x13: {  	[smem:$0x3FA8] =	sst s0;
	s0 =	simm.s32 @!p1 $0x0  }
0x14: {  	s2 =	sld [smem:$0x3F8C];
	s0 =	simm.s32 @p1 $0x1  }
0x15: {  	[smem:$0x3FA9] =	sst s0;
	s0 =	simm.s32 @!p2 $0x0  }
0x16: {  	s3 =	sld [smem:$0x3FDB];
	s0 =	simm.s32 @p2 $0x1  }
0x17: {  	s4 =	simm.s32 $0x1BF5;
	[smem:$0x3FAB] =	sst s0  }
0x18: {  	s0 =	sld [smem:$0x3F8E];
	_ =	swait.ge [sflag:s4], $0x0  }
0x19: {  	s7 =	sld [smem:$0x3F8F]  }
0x1a: {  	s8 =	sadd.s32 $0xFFFFE003, lr  }
0x1b: {  	s9 =	sadd.s32 $0xFFFFFEF7, lr;
	s5 =	simm.s32 $0xFFFFFFFF;
	p2 =	slt.u32 s8, $0xFFFFF086  }
0x1c: {  	p1 =	slt.u32 s9, $0xF7A;
	s5 =	simm.s32 @!p2 $0x0  }
0x1d: {  	s5 =	simm.s32 @p1 $0x1;
	p0 =	seq.s32 s7, s2  }
0x1e: {  	s7 =	smul.u32 @!p0 $0xF7A, s2;
	p2 =	seq.s32 @!p0 s5, $0x0  }
0x1f: {  	s9 =	smul.u32 $0xF7A, s1;
	s8 =	simm.s32 @!p0 $0x1BF5;
	p2 =	por !p2, p0  }
0x20: {  	[sflag:s8] =	ssyncset.s32 @!p0 $0xFFFFF086;
	s6 =	sadd.s32 @!p0 s3, s7;
	s7 =	simm.s32 @!p0 $0x108  }
0x21: {  	s3 =	sadd.s32 s3, s9;
	s6 =	sadd.s32 @!p0 $0x88, s6;
	s7 =	simm.s32 @p2 $0x1082  }
0x22: {  	[simem:s7], [sflag:s8] =	dma.local @!p0 [hbm:s6], $0xF7A  }
0x23: {  	s9 =	sor.u32 $0xD0000000, s2;
	s6 =	simm.s32 $0x108;
	_ =	swait.ge @!p0 [sflag:s8], $0x0  }
0x24: {  	s3 =	sadd.s32 $0x88, s3;
	s6 =	simm.s32 @!p1 $0x1082;
	[sflag:s4] =	ssyncset.s32 $0xFFFFF086  }
0x25: {  	[simem:s6], [sflag:s4] =	dma.local [hbm:s3], $0xF7A  }
0x26: {  	[smem:$0x3F8F] =	sst s1;
	(tag) =	ssettag s2;
	_ =	strace s9  }
0x27: {  	s1 =	sld [smem:$0x3F9F]  }
0x28: {  	s2 =	sld [smem:$0x3FA0]  }
0x29: {  	s4 =	sld [smem:$0x3FA2]  }
0x2a: {  	p0 =	seq.s32 s5, $0x0;
	s5 =	sld [smem:$0x3FA3]  }
0x2b: {  	s6 =	sld [smem:$0x3FA4]  }
0x2c: {  	s7 =	sld [smem:$0x3FA5]  }
0x2d: {  	s3 =	simm.s32 $0x108;
	s8 =	sld [smem:$0x3FA6]  }
0x2e: {  	s3 =	simm.s32 @!p0 $0x1082;
	s9 =	sld [smem:$0x3FA7]  }
0x2f: {  	lr =	sadd.s32 s0, s3;
	s0 =	sld [smem:$0x3F9E]  }
0x30: {  	s3 =	sld [smem:$0x3FA1]  }
0x31: {  	[smem:$0x3FAA] =	sst s10  }
0x32: {  	s10 =	sld [smem:$0x3FA8];
	_ =	sdelay $0x3  }
0x33: {  	p0 =	seq.s32 s10, $0x1;
	s10 =	sld [smem:$0x3FAA];
	_ =	sdelay $0x3  }
0x34: {  	[smem:$0x3FAA] =	sst s10  }
0x35: {  	s10 =	sld [smem:$0x3FA9];
	_ =	sdelay $0x3  }
0x36: {  	p1 =	seq.s32 s10, $0x1;
	s10 =	sld [smem:$0x3FAA];
	_ =	sdelay $0x3  }
0x37: {  	[smem:$0x3FAA] =	sst s10  }
0x38: {  	s10 =	sld [smem:$0x3FAB]  }
0x39: {  	_ = 	snop;
	(pc) =	sbr.ind lr, $3  }
0x3a: {  	_ = 	snop  }
0x3b: {  	_ = 	snop  }
0x3c: {  	p2 =	seq.s32 s10, $0x1;
	s10 =	sld [smem:$0x3FAA]  }
0x3d: {  	_ =	shalt  }
0x3e: {  	_ =	shalt  }
0x3f: {  	_ =	shalt  }
0x40: {  	_ =	shalt  }
0x41: {  	_ =	shalt  }
0x42: {  	_ =	shalt  }
0x43: {  	_ =	shalt  }
0x44: {  	_ =	shalt  }
0x45: {  	_ =	shalt  }
0x46: {  	_ =	shalt  }
0x47: {  	_ =	shalt  }
0x48: {  	_ =	shalt  }
0x49: {  	_ =	shalt  }
0x4a: {  	_ =	shalt  }
0x4b: {  	_ =	shalt  }
0x4c: {  	_ =	shalt  }
0x4d: {  	_ =	shalt  }
0x4e: {  	_ =	shalt  }
0x4f: {  	_ =	shalt  }
0x50: {  	_ =	shalt  }
0x51: {  	_ =	shalt  }
0x52: {  	_ =	shalt  }
0x53: {  	_ =	shalt  }
0x54: {  	_ =	shalt  }
0x55: {  	_ =	shalt  }
0x56: {  	_ =	shalt  }
0x57: {  	_ =	shalt  }
0x58: {  	_ =	shalt  }
0x59: {  	_ =	shalt  }
0x5a: {  	_ =	shalt  }
0x5b: {  	_ =	shalt  }
0x5c: {  	_ =	shalt  }
0x5d: {  	_ =	shalt  }
0x5e: {  	_ =	shalt  }
0x5f: {  	_ =	shalt  }
0x60: {  	_ =	shalt  }
0x61: {  	_ =	shalt  }
0x62: {  	_ =	shalt  }
0x63: {  	_ =	shalt  }
0x64: {  	_ =	shalt  }
0x65: {  	_ =	shalt  }
0x66: {  	_ =	shalt  }
0x67: {  	_ =	shalt  }
0x68: {  	_ =	shalt  }
0x69: {  	_ =	shalt  }
0x6a: {  	_ =	shalt  }
0x6b: {  	_ =	shalt  }
0x6c: {  	_ =	shalt  }
0x6d: {  	_ =	shalt  }
0x6e: {  	_ =	shalt  }
0x6f: {  	_ =	shalt  }
0x70: {  	_ =	shalt  }
0x71: {  	_ =	shalt  }
0x72: {  	_ =	shalt  }
0x73: {  	_ =	shalt  }
0x74: {  	_ =	shalt  }
0x75: {  	_ =	shalt  }
0x76: {  	_ =	shalt  }
0x77: {  	_ =	shalt  }
0x78: {  	_ =	shalt  }
0x79: {  	_ =	shalt  }
0x7a: {  	_ =	shalt  }
0x7b: {  	_ =	shalt  }
0x7c: {  	_ =	shalt  }
0x7d: {  	_ =	shalt  }
0x7e: {  	_ =	shalt  }
0x7f: {  	_ =	shalt  }
0x80: {  	_ =	shalt  }
0x81: {  	_ =	shalt  }
0x82: {  	_ =	shalt  }
0x83: {  	_ =	shalt  }
0x84: {  	_ =	shalt  }
0x85: {  	_ =	shalt  }
0x86: {  	_ =	shalt  }
0x87: {  	_ =	shalt  }
.Lfunc_end0:
.L_simem_size_0:
called_computation_lowered:
.L_overlay_start_0:
0x88: {  	s2 =	sld [smem:$0x3FD9]  }
0x89: {  	s3 =	sld [smem:$0x3FFE];
	_ =	sdelay $0x1  }
0x8a: {  	s1 =	srdreg.scid  }
0x8b: {  	s0 =	sand.u32 $0x1, s1  }
0x8c: {  	s14 =	sshll.u32 s0, $0xA;
	s2 =	sadd.s32 s3, s2  }
0x8d: {  	s2 =	sadd.s32 s2, s14  }
0x8e: {  	[smem:$0x3FB6] =	sst s2  }
0x8f: {  	_ = 	snop  }
0x90: {  	s2 =	sld [smem:$0x3FD0];
	_ =	sdelay $0x2  }
0x91: {  	s15 =	simm.s32 $0xA;
	s4 =	simm.s32 $0x10  }
0x92: {  	[smem:s4], [sflag:s15] =	dma.local [hbm:s2], $0x1  }
0x93: {  	_ =	swait.eq [sflag:s15], $0x1  }
0x94: {  	[sflag:s15] =	ssyncset.done $0x0  }
0x95: {  	[sflag:s15] =	ssyncadd.s32 $0xFFFFFFFF  }
0x96: {  	s16 =	sld [smem:$0x12];
	(tm) =	ssettm $0x1  }
0x97: {  	s17 =	sld [smem:$0x3FFB];
	_ =	sdelay $0x3  }
0x98: {  	_ =	strace s17  }
0x99: {  	s3 =	sld [smem:$0x3FFC];
	_ =	sdelay $0x3  }
0x9a: {  	_ =	strace s3  }
0x9b: {  	s3 =	sld [smem:$0x3FFD];
	_ =	sdelay $0x3  }
0x9c: {  	_ =	strace s3  }
0x9d: {  	_ =	strace $0x8FFFFFFF  }
0x9e: {  	s18 =	sld [smem:$0x3FDB];
	_ =	sdelay $0x1  }
0x9f: {  	s19 =	simm.s32 $_scs_section_size  }
0xa0: {  	s5 =	simm.s32 $_size__tile_overlayer_lowered;
	s6 =	simm.s32 $_tile_overlayer_lowered  }
0xa1: {  	s22 =	simm.s32 $0x1BFF;
	s21 =	sshll.u32 s6, $0x1;
	s3 =	sadd.s32 s19, s18  }
0xa2: {  	s7 =	simm.s32 $0x0;
	s20 =	sshll.u32 s5, $0x1;
	s5 =	sadd.s32 s21, s3  }
0xa3: {  	[timem:s7], [sflag:s22] =	dma.local [hbm:s5], s20  }
0xa4: {  	_ =	swait.ge [sflag:s22], s20  }
0xa5: {  	s4 =	ssub.s32 $0x0, s20;
	[sflag:s22] =	ssyncset.done $0x0  }
0xa6: {  	[sflag:s22] =	ssyncadd.s32 s4;
	_ =	sdelay $0x1  }
0xa7: {  	s23 =	simm.s32 $0x1B8B  }
0xa8: {  	_ =	swait.ge [sflag:s23], $0x1  }
0xa9: {  	[sflag:s23] =	ssyncset.done $0x0  }
0xaa: {  	s25 =	simm.s32 $0x1B8E;
	s24 =	sld [smem:$0x3FFE];
	[sflag:s23] =	ssyncadd.s32 $0xFFFFFFFF  }
0xab: {  	s26 =	simm.s32 $execute0_lowered;
	[smem:$0x3FD2] =	sst s25  }
0xac: {  	s5 =	sshll.u32 s26, $0x1;
	_ =	strace $0x80000046;
	[dreg:$0x1] =	wrdreg $0xFFFFFFFF  }
0xad: {  	s28 =	simm.s32 $_size_execute0_lowered;
	s3 =	sadd.s32 s3, s5;
	[dreg:$0x0] =	wrdreg $0x0  }
0xae: {  	s5 =	sshll.u32 s28, $0x1;
	[dreg:$0x2] =	wrdreg s3  }
0xaf: {  	[dreg:$0x3] =	wrdreg s5  }
0xb0: {  	[dreg:$0x4] =	wrdreg $0xC0  }
0xb1: {  	_ =	task [dreg:s7], $0x5FFFF  }
0xb2: {  	[dreg:$0x1] =	wrdreg $0xFFFFFFFF  }
0xb3: {  	[dreg:$0x0] =	wrdreg $0x60  }
0xb4: {  	[dreg:$0x2] =	wrdreg s16  }
0xb5: {  	[dreg:$0x3] =	wrdreg s24  }
0xb6: {  	[dreg:$0x4] =	wrdreg $0x9  }
0xb7: {  	_ =	task.clear_ibuf [dreg:s7], $0x5FFFF;
	_ =	strace $0x90000046  }
0xb8: {  	s29 =	simm.s32 $0x9;
	_ =	strace $0x80000048  }
0xb9: {  	_ =	swait.ge [sflag:s29], $0x1  }
0xba: {  	[sflag:s29] =	ssyncadd.s32 $0xFFFFFFFF  }
0xbb: {  	_ =	strace $0x90000048  }
0xbc: {  	_ =	sfence  }
0xbd: {  	s30 =	sld [smem:$0x0];
	_ =	sdelay $0x2  }
0xbe: {  	s31 =	sshll.u32 s1, $0xD;
	s1 =	sshrl.u32 s1, $0x2  }
0xbf: {  	s3 =	sand.u32 $0x4000, s31;
	s1 =	sadd.s32 s1, s30  }
0xc0: {  	s0 =	sor.u32 s3, s0;
	s1 =	sshll.u32 s1, $0x11  }
0xc1: {  	s0 =	sor.u32 s1, s0  }
0xc2: {  	s0 =	sadd.s32 $0x8F2B, s0  }
0xc3: {  	[sflag:s0] =	ssyncadd.remote.s32 $0x1  }
0xc4: {  	_ =	sfence.sel $0xFFFF  }
0xc5: {  	[dreg:$0x0] =	wrdreg $0xFFFFFFFF;
	(pc) =	sbr.abs _section_cstart, $3  }
0xc6: {  	[dreg:$0x1] =	wrdreg $0xFFFFFFFF  }
0xc7: {  	_ =	task.clear_ibuf [dreg:s7], $0x2FFFF;
	_ =	strace $0x9FFFFFFF  }
0xc8: {  	(tm) =	ssettm $0x7FFFFFFF  }
0xc9: {  	_ =	shalt  }
tec
execute0_lowered:
.L_overlay_start_1:
0x0: {  	(tag) =	ssettag $0x1  }
0x1: {  	s0 =	rddreg [dreg:$0x0];
	s1 =	srdreg.scid  }
0x2: {  	s2 =	stileid.u32;
	s4 =	rddreg [dreg:$0x1]  }
0x3: {  	s9 =	simm.s32 $0x2;
	s19 =	simm.s32 $0x1;
	s21 =	simm.s32 $0x880  }
0x4: {  	s22 =	simm.s32 $0x1080;
	s23 =	simm.s32 $0x1880;
	s28 =	simm.s32 $0x3880  }
0x5: {  	s29 =	simm.s32 $0x4080;
	s30 =	simm.s32 $0x4880;
	s31 =	simm.s32 $0x5080  }
0x6: {  	s11 =	simm.s32 $0x7080;
	s12 =	simm.s32 $0x7880;
	s13 =	simm.s32 $0x8080  }
0x7: {  	s14 =	simm.s32 $0x8880;
	s15 =	simm.s32 $0x9080;
	s16 =	simm.s32 $0x9880  }
0x8: {  	s17 =	simm.s32 $0xA080;
	s18 =	simm.s32 $0xA880;
	s10 =	simm.s32 $0xB080  }
0x9: {  	s1 =	sand.u32 $0x1, s1;
	s3 =	sshll.u32 s2, $0x1;
	s2 =	simm.s32 $0x0  }
0xa: {  	s5 =	sor.u32 s1, s3;
	[smem:$0x7FF] =	sst s2;
	s1 =	ssub.s32 $0x2, s1  }
0xb: {  	s3 =	sshll.u32 s5, $0x5;
	_ =	strace $0x80000047;
	s5 =	sshll.u32 s5, $0xE  }
0xc: {  	s6 =	sshrl.u32 s1, $0x1;
	s7 =	sadd.s32 s3, s4;
	s3 =	sadd.s32 $0x24C00, s4  }
0xd: {  	s5 =	sand.u32 $0x3C000, s5;
	s1 =	ssub.s32 s1, s6;
	s8 =	sadd.s32 $0xC00, s7  }
0xe: {  	s6 =	sadd.s32 $0x24E00, s4;
	s25 =	sadd.s32 $0xC10, s7;
	[dreg:$0x3] =	wrdreg s8  }
0xf: {  	s24 =	sadd.s32 s0, s5;
	s5 =	sadd.s32 $0x24D00, s4;
	[dreg:$0x4] =	wrdreg s25  }
0x10: {  	v2 =	vlaneseq.u32;
	s7 =	sadd.s32 $0x24F00, s4;
	[dreg:$0x6] =	wrdreg s24;
	s26 =	sadd.s32 $0x2000, s24  }
0x11: {  	vm0 =	vmmov $0xffff;
	v1 =	vshrl.u32 v2, $0x3;
	s8 =	smax.u32 s1, $0x1;
	s24 =	simm.s32 $0x2080;
	s25 =	simm.s32 $0x2880  }
0x12: {  	v0 =	vand.u32 $0x7, v2;
	v2 =	vor.u32 $0x8, v2;
	v1 =	vmul.u32 $0x8, v1;
	s1 =	simm.s32 $0x5880;
	[dreg:$0x5] =	wrdreg s26;
	s26 =	simm.s32 $0x3080  }
.LBB2_1:
0x13: {  	s20 =	rddreg [dreg:$0x3]  }
0x14: {  	[tilespmem:s2], [sflag:$0x2] =	stream.linear.gather [hbm4b:s20+s2], $0x80, $0x38;
	[tilespmem:$0x10080] =	vst v63  }
0x15: {  	_ =	swait.ge [sflag:s9], $0x80  }
0x16: {  	[sflag:s9] =	ssyncset.done $0x0  }
0x17: {  	s0 =	simm.s32 $0x80;
	s4 =	rddreg [dreg:$0x6];
	[sflag:s9] =	ssyncadd.s32 $0xFFFFFF80  }
0x18: {  	[tilespmem:s0], [sflag:$0x2] =	stream.linear.gather [hbm4b:s4+s2], $0x10000, $0x38;
	[tilespmem:$0x10080] =	vst v63  }
0x19: {  	_ =	swait.ge [sflag:s9], $0x10000  }
0x1a: {  	[sflag:s9] =	ssyncset.done $0x0  }
0x1b: {  	[sflag:s9] =	ssyncadd.s32 $0xFFFF0000  }
0x1c: {  	v3 =	vld [tilespmem:$0x0];
	_ =	sdelay $0x4  }
0x1d: {  	v4 =	vshll.u32 v3, $0x3  }
0x1e: {  	v3 =	vand.u32 $0x7, v3;
	v4 =	vand.u32 $0xFFFFFFC0, v4  }
0x1f: {  	v3 =	vor.u32 v3, v4  }
0x20: {  	v4 =	vperm.xlane v3, v0;
	_ =	sdelay $0x1  }
0x21: {  	v4 =	vadd.s32 v1, v4;
	_ =	sdelay $0x4  }
0x22: {  	[hbm4b:s3+s2] =	stream.indirect_vreg.scatter [tilespmem:s0], [sflag:$0x1], $0x80, v4, vm0, $0xb8;
	[tilespmem:$0x10080] =	vst v63  }
0x23: {  	v3 =	vperm.xlane v3, v2  }
0x24: {  	[hbm4b:s5+s2] =	stream.indirect_vreg.scatter [tilespmem:s21], [sflag:$0x1], $0x80, v4, vm0, $0xb8;
	[tilespmem:$0x10080] =	vst v63  }
0x25: {  	v3 =	vadd.s32 v1, v3  }
0x26: {  	[hbm4b:s6+s2] =	stream.indirect_vreg.scatter [tilespmem:s22], [sflag:$0x1], $0x80, v4, vm0, $0xb8;
	[tilespmem:$0x10080] =	vst v63  }
0x27: {  	_ = 	snop  }
0x28: {  	[hbm4b:s7+s2] =	stream.indirect_vreg.scatter [tilespmem:s23], [sflag:$0x1], $0x80, v4, vm0, $0xb8;
	[tilespmem:$0x10080] =	vst v63  }
0x29: {  	_ = 	snop  }
0x2a: {  	[hbm4b:s3+s2] =	stream.indirect_vreg.scatter [tilespmem:s24], [sflag:$0x1], $0x80, v3, vm0, $0xb8;
	[tilespmem:$0x10080] =	vst v63  }
0x2b: {  	_ = 	snop  }
0x2c: {  	[hbm4b:s5+s2] =	stream.indirect_vreg.scatter [tilespmem:s25], [sflag:$0x1], $0x80, v3, vm0, $0xb8;
	[tilespmem:$0x10080] =	vst v63  }
0x2d: {  	_ = 	snop  }
0x2e: {  	[hbm4b:s6+s2] =	stream.indirect_vreg.scatter [tilespmem:s26], [sflag:$0x1], $0x80, v3, vm0, $0xb8;
	[tilespmem:$0x10080] =	vst v63  }
0x2f: {  	_ = 	snop  }
0x30: {  	[hbm4b:s7+s2] =	stream.indirect_vreg.scatter [tilespmem:s28], [sflag:$0x1], $0x80, v3, vm0, $0xb8;
	[tilespmem:$0x10080] =	vst v63  }
0x31: {  	v3 =	vld [tilespmem:$0x10];
	_ =	sdelay $0x4  }
0x32: {  	v57 =	vshll.u32 v3, $0x3  }
0x33: {  	v3 =	vand.u32 $0x7, v3;
	v4 =	vand.u32 $0xFFFFFFC0, v57  }
0x34: {  	v3 =	vor.u32 v3, v4  }
0x35: {  	v4 =	vperm.xlane v3, v0;
	_ =	sdelay $0x1  }
0x36: {  	v4 =	vadd.s32 v1, v4;
	_ =	sdelay $0x4  }
0x37: {  	[hbm4b:s3+s2] =	stream.indirect_vreg.scatter [tilespmem:s29], [sflag:$0x1], $0x80, v4, vm0, $0xb8;
	[tilespmem:$0x10080] =	vst v63  }
0x38: {  	v3 =	vperm.xlane v3, v2  }
0x39: {  	[hbm4b:s5+s2] =	stream.indirect_vreg.scatter [tilespmem:s30], [sflag:$0x1], $0x80, v4, vm0, $0xb8;
	[tilespmem:$0x10080] =	vst v63  }
0x3a: {  	v3 =	vadd.s32 v1, v3  }
0x3b: {  	[hbm4b:s6+s2] =	stream.indirect_vreg.scatter [tilespmem:s31], [sflag:$0x1], $0x80, v4, vm0, $0xb8;
	[tilespmem:$0x10080] =	vst v63  }
0x3c: {  	_ = 	snop  }
0x3d: {  	[hbm4b:s7+s2] =	stream.indirect_vreg.scatter [tilespmem:s1], [sflag:$0x1], $0x80, v4, vm0, $0xb8;
	[tilespmem:$0x10080] =	vst v63  }
0x3e: {  	s4 =	simm.s32 $0x6080  }
0x3f: {  	[hbm4b:s3+s2] =	stream.indirect_vreg.scatter [tilespmem:s4], [sflag:$0x1], $0x80, v3, vm0, $0xb8;
	[tilespmem:$0x10080] =	vst v63  }
0x40: {  	s4 =	simm.s32 $0x6880  }
0x41: {  	[hbm4b:s5+s2] =	stream.indirect_vreg.scatter [tilespmem:s4], [sflag:$0x1], $0x80, v3, vm0, $0xb8;
	[tilespmem:$0x10080] =	vst v63  }
0x42: {  	_ = 	snop  }
0x43: {  	[hbm4b:s6+s2] =	stream.indirect_vreg.scatter [tilespmem:s11], [sflag:$0x1], $0x80, v3, vm0, $0xb8;
	[tilespmem:$0x10080] =	vst v63  }
0x44: {  	_ = 	snop  }
0x45: {  	[hbm4b:s7+s2] =	stream.indirect_vreg.scatter [tilespmem:s12], [sflag:$0x1], $0x80, v3, vm0, $0xb8;
	[tilespmem:$0x10080] =	vst v63  }
0x46: {  	v3 =	vld [tilespmem:$0x20];
	_ =	sdelay $0x4  }
0x47: {  	v58 =	vshll.u32 v3, $0x3  }
0x48: {  	v3 =	vand.u32 $0x7, v3;
	v4 =	vand.u32 $0xFFFFFFC0, v58  }
0x49: {  	v3 =	vor.u32 v3, v4  }
0x4a: {  	v4 =	vperm.xlane v3, v0;
	_ =	sdelay $0x1  }
0x4b: {  	v4 =	vadd.s32 v1, v4;
	_ =	sdelay $0x4  }
0x4c: {  	[hbm4b:s3+s2] =	stream.indirect_vreg.scatter [tilespmem:s13], [sflag:$0x1], $0x80, v4, vm0, $0xb8;
	[tilespmem:$0x10080] =	vst v63  }
0x4d: {  	v3 =	vperm.xlane v3, v2  }
0x4e: {  	[hbm4b:s5+s2] =	stream.indirect_vreg.scatter [tilespmem:s14], [sflag:$0x1], $0x80, v4, vm0, $0xb8;
	[tilespmem:$0x10080] =	vst v63  }
0x4f: {  	v3 =	vadd.s32 v1, v3  }
0x50: {  	[hbm4b:s6+s2] =	stream.indirect_vreg.scatter [tilespmem:s15], [sflag:$0x1], $0x80, v4, vm0, $0xb8;
	[tilespmem:$0x10080] =	vst v63  }
0x51: {  	_ = 	snop  }
0x52: {  	[hbm4b:s7+s2] =	stream.indirect_vreg.scatter [tilespmem:s16], [sflag:$0x1], $0x80, v4, vm0, $0xb8;
	[tilespmem:$0x10080] =	vst v63  }
0x53: {  	_ = 	snop  }
0x54: {  	[hbm4b:s3+s2] =	stream.indirect_vreg.scatter [tilespmem:s17], [sflag:$0x1], $0x80, v3, vm0, $0xb8;
	[tilespmem:$0x10080] =	vst v63  }
0x55: {  	_ = 	snop  }
0x56: {  	[hbm4b:s5+s2] =	stream.indirect_vreg.scatter [tilespmem:s18], [sflag:$0x1], $0x80, v3, vm0, $0xb8;
	[tilespmem:$0x10080] =	vst v63  }
0x57: {  	_ = 	snop  }
0x58: {  	[hbm4b:s6+s2] =	stream.indirect_vreg.scatter [tilespmem:s10], [sflag:$0x1], $0x80, v3, vm0, $0xb8;
	[tilespmem:$0x10080] =	vst v63  }
0x59: {  	s20 =	simm.s32 $0xB880  }
0x5a: {  	[hbm4b:s7+s2] =	stream.indirect_vreg.scatter [tilespmem:s20], [sflag:$0x1], $0x80, v3, vm0, $0xb8;
	[tilespmem:$0x10080] =	vst v63  }
0x5b: {  	v3 =	vld [tilespmem:$0x30];
	_ =	sdelay $0x4  }
0x5c: {  	v59 =	vshll.u32 v3, $0x3  }
0x5d: {  	v3 =	vand.u32 $0x7, v3;
	v4 =	vand.u32 $0xFFFFFFC0, v59  }
0x5e: {  	v3 =	vor.u32 v3, v4  }
0x5f: {  	v4 =	vperm.xlane v3, v0;
	_ =	sdelay $0x1  }
0x60: {  	v4 =	vadd.s32 v1, v4;
	_ =	sdelay $0x3  }
0x61: {  	s20 =	simm.s32 $0xC080  }
0x62: {  	[hbm4b:s3+s2] =	stream.indirect_vreg.scatter [tilespmem:s20], [sflag:$0x1], $0x80, v4, vm0, $0xb8;
	[tilespmem:$0x10080] =	vst v63  }
0x63: {  	v3 =	vperm.xlane v3, v2;
	s20 =	simm.s32 $0xC880  }
0x64: {  	[hbm4b:s5+s2] =	stream.indirect_vreg.scatter [tilespmem:s20], [sflag:$0x1], $0x80, v4, vm0, $0xb8;
	[tilespmem:$0x10080] =	vst v63  }
0x65: {  	v3 =	vadd.s32 v1, v3;
	s20 =	simm.s32 $0xD080  }
0x66: {  	[hbm4b:s6+s2] =	stream.indirect_vreg.scatter [tilespmem:s20], [sflag:$0x1], $0x80, v4, vm0, $0xb8;
	[tilespmem:$0x10080] =	vst v63  }
0x67: {  	s20 =	simm.s32 $0xD880  }
0x68: {  	[hbm4b:s7+s2] =	stream.indirect_vreg.scatter [tilespmem:s20], [sflag:$0x1], $0x80, v4, vm0, $0xb8;
	[tilespmem:$0x10080] =	vst v63  }
0x69: {  	s20 =	simm.s32 $0xE080  }
0x6a: {  	[hbm4b:s3+s2] =	stream.indirect_vreg.scatter [tilespmem:s20], [sflag:$0x1], $0x80, v3, vm0, $0xb8;
	[tilespmem:$0x10080] =	vst v63  }
0x6b: {  	s20 =	simm.s32 $0xE880  }
0x6c: {  	[hbm4b:s5+s2] =	stream.indirect_vreg.scatter [tilespmem:s20], [sflag:$0x1], $0x80, v3, vm0, $0xb8;
	[tilespmem:$0x10080] =	vst v63  }
0x6d: {  	s20 =	simm.s32 $0xF080  }
0x6e: {  	[hbm4b:s6+s2] =	stream.indirect_vreg.scatter [tilespmem:s20], [sflag:$0x1], $0x80, v3, vm0, $0xb8;
	[tilespmem:$0x10080] =	vst v63  }
0x6f: {  	s20 =	simm.s32 $0xF880  }
0x70: {  	[hbm4b:s7+s2] =	stream.indirect_vreg.scatter [tilespmem:s20], [sflag:$0x1], $0x80, v3, vm0, $0xb8;
	[tilespmem:$0x10080] =	vst v63  }
0x71: {  	_ =	swait.ge [sflag:s19], $0x10000  }
0x72: {  	[sflag:s19] =	ssyncset.done $0x0  }
0x73: {  	s20 =	rddreg [dreg:$0x4];
	[sflag:s19] =	ssyncadd.s32 $0xFFFF0000  }
0x74: {  	[tilespmem:s2], [sflag:$0x2] =	stream.linear.gather [hbm4b:s20+s2], $0x80, $0x38;
	[tilespmem:$0x10080] =	vst v63  }
0x75: {  	_ =	swait.ge [sflag:s9], $0x80  }
0x76: {  	[sflag:s9] =	ssyncset.done $0x0  }
0x77: {  	s20 =	rddreg [dreg:$0x5];
	[sflag:s9] =	ssyncadd.s32 $0xFFFFFF80  }
0x78: {  	[tilespmem:s0], [sflag:$0x2] =	stream.linear.gather [hbm4b:s20+s2], $0x10000, $0x38;
	[tilespmem:$0x10080] =	vst v63  }
0x79: {  	_ =	swait.ge [sflag:s9], $0x10000  }
0x7a: {  	[sflag:s9] =	ssyncset.done $0x0  }
0x7b: {  	[sflag:s9] =	ssyncadd.s32 $0xFFFF0000  }
0x7c: {  	v3 =	vld [tilespmem:$0x0];
	_ =	sdelay $0x4  }
0x7d: {  	v60 =	vshll.u32 v3, $0x3  }
0x7e: {  	v3 =	vand.u32 $0x7, v3;
	v4 =	vand.u32 $0xFFFFFFC0, v60  }
0x7f: {  	v3 =	vor.u32 v3, v4  }
0x80: {  	v4 =	vperm.xlane v3, v0;
	_ =	sdelay $0x1  }
0x81: {  	v4 =	vadd.s32 v1, v4;
	_ =	sdelay $0x4  }
0x82: {  	[hbm4b:s3+s2] =	stream.indirect_vreg.scatter [tilespmem:s0], [sflag:$0x1], $0x80, v4, vm0, $0xb8;
	[tilespmem:$0x10080] =	vst v63  }
0x83: {  	v3 =	vperm.xlane v3, v2  }
0x84: {  	[hbm4b:s5+s2] =	stream.indirect_vreg.scatter [tilespmem:s21], [sflag:$0x1], $0x80, v4, vm0, $0xb8;
	[tilespmem:$0x10080] =	vst v63  }
0x85: {  	v3 =	vadd.s32 v1, v3  }
0x86: {  	[hbm4b:s6+s2] =	stream.indirect_vreg.scatter [tilespmem:s22], [sflag:$0x1], $0x80, v4, vm0, $0xb8;
	[tilespmem:$0x10080] =	vst v63  }
0x87: {  	_ = 	snop  }
0x88: {  	[hbm4b:s7+s2] =	stream.indirect_vreg.scatter [tilespmem:s23], [sflag:$0x1], $0x80, v4, vm0, $0xb8;
	[tilespmem:$0x10080] =	vst v63  }
0x89: {  	_ = 	snop  }
0x8a: {  	[hbm4b:s3+s2] =	stream.indirect_vreg.scatter [tilespmem:s24], [sflag:$0x1], $0x80, v3, vm0, $0xb8;
	[tilespmem:$0x10080] =	vst v63  }
0x8b: {  	_ = 	snop  }
0x8c: {  	[hbm4b:s5+s2] =	stream.indirect_vreg.scatter [tilespmem:s25], [sflag:$0x1], $0x80, v3, vm0, $0xb8;
	[tilespmem:$0x10080] =	vst v63  }
0x8d: {  	_ = 	snop  }
0x8e: {  	[hbm4b:s6+s2] =	stream.indirect_vreg.scatter [tilespmem:s26], [sflag:$0x1], $0x80, v3, vm0, $0xb8;
	[tilespmem:$0x10080] =	vst v63  }
0x8f: {  	_ = 	snop  }
0x90: {  	[hbm4b:s7+s2] =	stream.indirect_vreg.scatter [tilespmem:s28], [sflag:$0x1], $0x80, v3, vm0, $0xb8;
	[tilespmem:$0x10080] =	vst v63  }
0x91: {  	v3 =	vld [tilespmem:$0x10];
	_ =	sdelay $0x4  }
0x92: {  	v61 =	vshll.u32 v3, $0x3  }
0x93: {  	v3 =	vand.u32 $0x7, v3;
	v4 =	vand.u32 $0xFFFFFFC0, v61  }
0x94: {  	v3 =	vor.u32 v3, v4  }
0x95: {  	v4 =	vperm.xlane v3, v0;
	_ =	sdelay $0x1  }
0x96: {  	v4 =	vadd.s32 v1, v4;
	_ =	sdelay $0x4  }
0x97: {  	[hbm4b:s3+s2] =	stream.indirect_vreg.scatter [tilespmem:s29], [sflag:$0x1], $0x80, v4, vm0, $0xb8;
	[tilespmem:$0x10080] =	vst v63  }
0x98: {  	v3 =	vperm.xlane v3, v2  }
0x99: {  	[hbm4b:s5+s2] =	stream.indirect_vreg.scatter [tilespmem:s30], [sflag:$0x1], $0x80, v4, vm0, $0xb8;
	[tilespmem:$0x10080] =	vst v63  }
0x9a: {  	v3 =	vadd.s32 v1, v3  }
0x9b: {  	[hbm4b:s6+s2] =	stream.indirect_vreg.scatter [tilespmem:s31], [sflag:$0x1], $0x80, v4, vm0, $0xb8;
	[tilespmem:$0x10080] =	vst v63  }
0x9c: {  	_ = 	snop  }
0x9d: {  	[hbm4b:s7+s2] =	stream.indirect_vreg.scatter [tilespmem:s1], [sflag:$0x1], $0x80, v4, vm0, $0xb8;
	[tilespmem:$0x10080] =	vst v63  }
0x9e: {  	s20 =	simm.s32 $0x6080  }
0x9f: {  	[hbm4b:s3+s2] =	stream.indirect_vreg.scatter [tilespmem:s20], [sflag:$0x1], $0x80, v3, vm0, $0xb8;
	[tilespmem:$0x10080] =	vst v63  }
0xa0: {  	_ = 	snop  }
0xa1: {  	[hbm4b:s5+s2] =	stream.indirect_vreg.scatter [tilespmem:s4], [sflag:$0x1], $0x80, v3, vm0, $0xb8;
	[tilespmem:$0x10080] =	vst v63  }
0xa2: {  	_ = 	snop  }
0xa3: {  	[hbm4b:s6+s2] =	stream.indirect_vreg.scatter [tilespmem:s11], [sflag:$0x1], $0x80, v3, vm0, $0xb8;
	[tilespmem:$0x10080] =	vst v63  }
0xa4: {  	_ = 	snop  }
0xa5: {  	[hbm4b:s7+s2] =	stream.indirect_vreg.scatter [tilespmem:s12], [sflag:$0x1], $0x80, v3, vm0, $0xb8;
	[tilespmem:$0x10080] =	vst v63  }
0xa6: {  	v3 =	vld [tilespmem:$0x20];
	_ =	sdelay $0x4  }
0xa7: {  	v62 =	vshll.u32 v3, $0x3  }
0xa8: {  	v3 =	vand.u32 $0x7, v3;
	v4 =	vand.u32 $0xFFFFFFC0, v62  }
0xa9: {  	v3 =	vor.u32 v3, v4  }
0xaa: {  	v4 =	vperm.xlane v3, v0;
	_ =	sdelay $0x1  }
0xab: {  	v4 =	vadd.s32 v1, v4;
	_ =	sdelay $0x4  }
0xac: {  	[hbm4b:s3+s2] =	stream.indirect_vreg.scatter [tilespmem:s13], [sflag:$0x1], $0x80, v4, vm0, $0xb8;
	[tilespmem:$0x10080] =	vst v63  }
0xad: {  	v3 =	vperm.xlane v3, v2  }
0xae: {  	[hbm4b:s5+s2] =	stream.indirect_vreg.scatter [tilespmem:s14], [sflag:$0x1], $0x80, v4, vm0, $0xb8;
	[tilespmem:$0x10080] =	vst v63  }
0xaf: {  	v3 =	vadd.s32 v1, v3  }
0xb0: {  	[hbm4b:s6+s2] =	stream.indirect_vreg.scatter [tilespmem:s15], [sflag:$0x1], $0x80, v4, vm0, $0xb8;
	[tilespmem:$0x10080] =	vst v63  }
0xb1: {  	_ = 	snop  }
0xb2: {  	[hbm4b:s7+s2] =	stream.indirect_vreg.scatter [tilespmem:s16], [sflag:$0x1], $0x80, v4, vm0, $0xb8;
	[tilespmem:$0x10080] =	vst v63  }
0xb3: {  	_ = 	snop  }
0xb4: {  	[hbm4b:s3+s2] =	stream.indirect_vreg.scatter [tilespmem:s17], [sflag:$0x1], $0x80, v3, vm0, $0xb8;
	[tilespmem:$0x10080] =	vst v63  }
0xb5: {  	_ = 	snop  }
0xb6: {  	[hbm4b:s5+s2] =	stream.indirect_vreg.scatter [tilespmem:s18], [sflag:$0x1], $0x80, v3, vm0, $0xb8;
	[tilespmem:$0x10080] =	vst v63  }
0xb7: {  	_ = 	snop  }
0xb8: {  	[hbm4b:s6+s2] =	stream.indirect_vreg.scatter [tilespmem:s10], [sflag:$0x1], $0x80, v3, vm0, $0xb8;
	[tilespmem:$0x10080] =	vst v63  }
0xb9: {  	s20 =	simm.s32 $0xB880  }
0xba: {  	[hbm4b:s7+s2] =	stream.indirect_vreg.scatter [tilespmem:s20], [sflag:$0x1], $0x80, v3, vm0, $0xb8;
	[tilespmem:$0x10080] =	vst v63  }
0xbb: {  	v3 =	vld [tilespmem:$0x30];
	_ =	sdelay $0x4  }
0xbc: {  	v63 =	vshll.u32 v3, $0x3  }
0xbd: {  	v3 =	vand.u32 $0x7, v3;
	v4 =	vand.u32 $0xFFFFFFC0, v63  }
0xbe: {  	v3 =	vor.u32 v3, v4  }
0xbf: {  	v4 =	vperm.xlane v3, v0;
	_ =	sdelay $0x1  }
0xc0: {  	v4 =	vadd.s32 v1, v4;
	_ =	sdelay $0x3  }
0xc1: {  	s4 =	simm.s32 $0xC080  }
0xc2: {  	[hbm4b:s3+s2] =	stream.indirect_vreg.scatter [tilespmem:s4], [sflag:$0x1], $0x80, v4, vm0, $0xb8;
	[tilespmem:$0x10080] =	vst v63  }
0xc3: {  	s20 =	simm.s32 $0xC880;
	v3 =	vperm.xlane v3, v2  }
0xc4: {  	[hbm4b:s5+s2] =	stream.indirect_vreg.scatter [tilespmem:s20], [sflag:$0x1], $0x80, v4, vm0, $0xb8;
	[tilespmem:$0x10080] =	vst v63  }
0xc5: {  	v3 =	vadd.s32 v1, v3;
	s4 =	simm.s32 $0xD080  }
0xc6: {  	[hbm4b:s6+s2] =	stream.indirect_vreg.scatter [tilespmem:s4], [sflag:$0x1], $0x80, v4, vm0, $0xb8;
	[tilespmem:$0x10080] =	vst v63  }
0xc7: {  	s20 =	simm.s32 $0xD880  }
0xc8: {  	[hbm4b:s7+s2] =	stream.indirect_vreg.scatter [tilespmem:s20], [sflag:$0x1], $0x80, v4, vm0, $0xb8;
	[tilespmem:$0x10080] =	vst v63  }
0xc9: {  	s4 =	simm.s32 $0xE080  }
0xca: {  	[hbm4b:s3+s2] =	stream.indirect_vreg.scatter [tilespmem:s4], [sflag:$0x1], $0x80, v3, vm0, $0xb8;
	[tilespmem:$0x10080] =	vst v63  }
0xcb: {  	s20 =	simm.s32 $0xE880  }
0xcc: {  	[hbm4b:s5+s2] =	stream.indirect_vreg.scatter [tilespmem:s20], [sflag:$0x1], $0x80, v3, vm0, $0xb8;
	[tilespmem:$0x10080] =	vst v63  }
0xcd: {  	p0 =	sne.s32 s8, $0x1;
	s4 =	simm.s32 $0xF080  }
0xce: {  	[hbm4b:s6+s2] =	stream.indirect_vreg.scatter [tilespmem:s4], [sflag:$0x1], $0x80, v3, vm0, $0xb8;
	[tilespmem:$0x10080] =	vst v63  }
.Ltmp0:
0xcf: {  	s20 =	simm.s32 $0xF880;
	(pc) =	sbr.rel @p0 .LBB2_1-.Ltmp0, $4  }
0xd0: {  	[hbm4b:s7+s2] =	stream.indirect_vreg.scatter [tilespmem:s20], [sflag:$0x1], $0x80, v3, vm0, $0xb8;
	[tilespmem:$0x10080] =	vst v63  }
0xd1: {  	_ =	swait.ge [sflag:s19], $0x10000  }
0xd2: {  	[sflag:s19] =	ssyncset.done $0x0  }
0xd3: {  	s8 =	sadd.s32 $0xFFFFFFFF, s8;
	[sflag:s19] =	ssyncadd.s32 $0xFFFF0000  }
0xd4: {  	_ =	sfence.sel $0x180000  }
0xd5: {  	[bflag:$0x0] =	sbarrier.arrive $0xFFFF  }
0xd6: {  	_ =	strace $0x90000047  }
0xd7: {  	s0 =	stileid.u32;
	[bflag:$0x2] =	sbarrier.arrive $0xFFFF  }
0xd8: {  	p0 =	sne.s32 s0, $0x0;
	s0 =	rddreg [dreg:$0x2]  }
0xd9: {  	s0 =	sadd.s32 @!p0 $0x100000, s0  }
0xda: {  	[sflag:s0] =	ssyncadd.tile.s32 @!p0 $0x1;
	_ =	shalt  }
.Lfunc_end2:
_tile_overlayer_lowered:
.L_overlay_start_2:
0xdb: {  	(tag) =	ssettag $0x2  }
0xdc: {  	s0 =	rddreg [dreg:$0x0];
	s2 =	stileid.u32  }
0xdd: {  	s1 =	rddreg [dreg:$0x1];
	p0 =	sne.s32 s2, $0x0  }
0xde: {  	s3 =	rddreg [dreg:$0x2];
	[bflag:$0x3] =	sbarrier.arrive $0xFFFF;
	s2 =	simm.s32 @!p0 $0x1C02  }
0xdf: {  	[timem:s3], [sflag:s2] =	dma.local @!p0 [hbm:s0], s1  }
0xe0: {  	s0 =	simm.s32 @!p0 $0x2  }
0xe1: {  	_ =	swait.ge @!p0 [sflag:s0], s1  }
0xe2: {  	s1 =	ssub.s32 @!p0 $0x0, s1;
	[sflag:s0] =	ssyncset.done @!p0 $0x0  }
0xe3: {  	[sflag:s0] =	ssyncadd.s32 @!p0 s1  }
0xe4: {  	[bflag:$0x3] =	sbarrier.arrive $0xFFFF  }
0xe5: {  	_ =	shalt  }

</sc_bundles>
